<compile_context>
chip_gen: v7x
topology: tpu7x:2x2x1
jax: 0.10.2.dev20260603
libtpu: 0.0.44.dev20260713+nightly
codegen_flags: <defaults>
</compile_context>

<pallas_src>
import functools

import jax
import jax.numpy as jnp
from jax import lax
from jax.experimental import pallas as pl
from jax.experimental.pallas import tpu as pltpu
from jax.experimental.pallas import tpu_sc as plsc

NC = 2
NS = 16
NW = NC * NS
L = 16
CH = 128


def _sc_scatter_rows(N_PAD, D, EPT, with_aux):
    RPT = N_PAD // NS
    NCHUNK = EPT // CH
    mesh = plsc.VectorSubcoreMesh(
        core_axis_name="c", subcore_axis_name="s",
        num_cores=NC, num_subcores=NS)

    out_type = [jax.ShapeDtypeStruct((NC, N_PAD, D), jnp.float32)]
    if with_aux:
        out_type += [jax.ShapeDtypeStruct((NW, N_PAD), jnp.float32)] * 2

    scratch = [
        pltpu.VMEM_SHARED((N_PAD, D), jnp.float32),
        pltpu.VMEM((CH,), jnp.int32),
        pltpu.VMEM((CH,), jnp.int32),
        pltpu.VMEM((CH, D), jnp.float32),
        pltpu.SemaphoreType.DMA,
    ]
    if with_aux:
        scratch += [
            pltpu.VMEM((CH,), jnp.float32),
            pltpu.VMEM((N_PAD,), jnp.float32),
            pltpu.VMEM((N_PAD,), jnp.float32),
        ]

    @functools.partial(pl.kernel, mesh=mesh, out_type=out_type,
                       scratch_types=scratch,
                       compiler_params=pltpu.CompilerParams(
                           needs_layout_passes=False))
    def body(hv_hbm, src_hbm, dst_hbm, he_hbm, zrows_hbm, zvec_hbm, *rest):
        if with_aux:
            (s_out, deg_out, she_out,
             acc, src_v, dst_v, rows, sem, he_v, deg_v, she_v) = rest
        else:
            s_out, acc, src_v, dst_v, rows, sem = rest
        c = lax.axis_index("c")
        s = lax.axis_index("s")
        wid = s * NC + c

        pltpu.sync_copy(zrows_hbm, acc.at[pl.ds(s * RPT, RPT)])
        if with_aux:
            pltpu.sync_copy(zvec_hbm, deg_v)
            pltpu.sync_copy(zvec_hbm, she_v)
        plsc.subcore_barrier()

        ebase = wid * EPT
        ones = jnp.ones((L,), jnp.float32)

        def chunk(j, carry):
            off = ebase + j * CH
            pltpu.sync_copy(src_hbm.at[pl.ds(off, CH)], src_v)
            pltpu.sync_copy(dst_hbm.at[pl.ds(off, CH)], dst_v)
            pltpu.async_copy(hv_hbm.at[src_v], rows, sem).wait()
            pltpu.sync_copy(rows, acc.at[dst_v], add=True)
            if with_aux:
                pltpu.sync_copy(he_hbm.at[pl.ds(off, CH)], he_v)
                for k in range(CH // L):
                    dk = dst_v[pl.ds(k * L, L)]
                    plsc.addupdate_scatter(deg_v, [dk], ones)
                    plsc.addupdate_scatter(she_v, [dk], he_v[pl.ds(k * L, L)])
            return carry

        lax.fori_loop(0, NCHUNK, chunk, 0)
        plsc.subcore_barrier()

        pltpu.sync_copy(acc.at[pl.ds(s * RPT, RPT)],
                        s_out.at[c, pl.ds(s * RPT, RPT)])
        if with_aux:
            pltpu.sync_copy(deg_v, deg_out.at[wid])
            pltpu.sync_copy(she_v, she_out.at[wid])

    return body


def _tc_update(N, D, BN):
    D2, D3 = 2 * D, 3 * D
    grid = (pl.cdiv(N, BN),)

    def body(hv_ref, sp_ref, degp_ref, shep_ref, wdt_ref, wst_ref, we_ref,
             bm_ref, wiht_ref, whht_ref, bih_ref, bhh_ref, out_ref):
        hvb = hv_ref[...]
        hv16 = hvb.astype(jnp.bfloat16)
        sp = sp_ref[...]
        Sb = sp[0] + sp[1]
        onesw = jnp.ones((NW, 1), jnp.float32)
        dn = (((0,), (0,)), ((), ()))
        hi = lax.Precision.HIGHEST
        degc = lax.dot_general(degp_ref[...], onesw, dn, precision=hi,
                               preferred_element_type=jnp.float32)
        shec = lax.dot_general(shep_ref[...], onesw, dn, precision=hi,
                               preferred_element_type=jnp.float32)
        a = jnp.dot(hv16, wdt_ref[...],
                    preferred_element_type=jnp.float32) * degc
        a = a + jnp.dot(Sb, wst_ref[...], precision=hi,
                        preferred_element_type=jnp.float32)
        a = a + shec * we_ref[...] + degc * bm_ref[...]
        gi = jnp.dot(a.astype(jnp.bfloat16), wiht_ref[...],
                     preferred_element_type=jnp.float32) + bih_ref[...]
        gh = jnp.dot(hv16, whht_ref[...],
                     preferred_element_type=jnp.float32) + bhh_ref[...]
        r = jax.nn.sigmoid(gi[:, :D] + gh[:, :D])
        z = jax.nn.sigmoid(gi[:, D:D2] + gh[:, D:D2])
        n = jnp.tanh(gi[:, D2:] + r * gh[:, D2:])
        out_ref[...] = (1.0 - z) * n + z * hvb

    c0 = lambda i: (0, 0)
    return pl.pallas_call(
        body,
        grid=grid,
        in_specs=[
            pl.BlockSpec((BN, D), lambda i: (i, 0)),
            pl.BlockSpec((NC, BN, D), lambda i: (0, i, 0)),
            pl.BlockSpec((NW, BN), lambda i: (0, i)),
            pl.BlockSpec((NW, BN), lambda i: (0, i)),
            pl.BlockSpec((D, D2), c0),
            pl.BlockSpec((D, D2), c0),
            pl.BlockSpec((1, D2), c0),
            pl.BlockSpec((1, D2), c0),
            pl.BlockSpec((D2, D3), c0),
            pl.BlockSpec((D, D3), c0),
            pl.BlockSpec((1, D3), c0),
            pl.BlockSpec((1, D3), c0),
        ],
        out_specs=pl.BlockSpec((BN, D), lambda i: (i, 0)),
        out_shape=jax.ShapeDtypeStruct((N, D), jnp.float32),
    )


def kernel(hv, edge_index, he, W_msg, b_msg, W_ih, W_hh, b_ih, b_hh):
    N, D = hv.shape
    E = edge_index.shape[1]
    T = W_msg.shape[0]

    N_PAD = ((N + NW * 8 - 1) // (NW * 8)) * (NW * 8)
    EPT = ((E + NW - 1) // NW + CH - 1) // CH * CH
    E_PAD = EPT * NW

    def b16(x):
        return lax.reduce_precision(x, exponent_bits=8, mantissa_bits=7)

    order = jnp.argsort(edge_index[1], stable=True)
    src = edge_index[0][order]
    dst = edge_index[1][order]
    he_s = b16(he[:, 0])[order]
    pad = E_PAD - E
    src_p = jnp.concatenate([src, jnp.zeros((pad,), jnp.int32)])
    dst_p = jnp.concatenate([dst, jnp.full((pad,), N_PAD - 8, jnp.int32)])
    he_p = jnp.concatenate([he_s, jnp.zeros((pad,), jnp.float32)])
    zrows = jnp.zeros((N_PAD // NS, D), jnp.float32)
    zvec = jnp.zeros((N_PAD,), jnp.float32)

    sc_aux = _sc_scatter_rows(N_PAD, D, EPT, with_aux=True)
    sc_plain = _sc_scatter_rows(N_PAD, D, EPT, with_aux=False)
    tc = _tc_update(N, D, 2048)

    degp = shep = None
    for t in range(T):
        hv16f = b16(hv)
        if t == 0:
            S, degp, shep = sc_aux(hv16f, src_p, dst_p, he_p, zrows, zvec)
        else:
            (S,) = sc_plain(hv16f, src_p, dst_p, he_p, zrows, zvec)
        wdt = W_msg[t, :, :D].T.astype(jnp.bfloat16)
        wst = b16(W_msg[t, :, D:2 * D].T)
        we = b16(W_msg[t, :, 2 * D][None, :])
        bm = b_msg[t][None, :]
        wiht = W_ih[t].T.astype(jnp.bfloat16)
        whht = W_hh[t].T.astype(jnp.bfloat16)
        bih = b_ih[t][None, :]
        bhh = b_hh[t][None, :]
        hv = tc(hv, S, degp, shep,
                wdt, wst, we, bm, wiht, whht, bih, bhh)
    return hv

# --- scband reference (transcript-rebuilt; emitter-appended) ---
"""Pipeline reference for scband-graph-prop-66992899883697 (READ-ONLY COPY).

The authoritative reference and input builder live on the scoring server;
editing this copy changes nothing except your own understanding.
"""

import jax, jax.numpy as jnp
import numpy as np

N = 10000
E = 320000
D = 128
T = 2


def gru_cell(x, h, w_ih, w_hh, b_ih, b_hh):
    gi = x @ w_ih.T + b_ih
    gh = h @ w_hh.T + b_hh
    i_r, i_z, i_n = jnp.split(gi, 3, axis=1)
    h_r, h_z, h_n = jnp.split(gh, 3, axis=1)
    r = jax.nn.sigmoid(i_r + h_r)
    z = jax.nn.sigmoid(i_z + h_z)
    n = jnp.tanh(i_n + r * h_n)
    return (1.0 - z) * n + z * h


def setup_inputs(seed: int = 0) -> dict:
    key = jax.random.key(seed)
    ks = jax.random.split(key, 10)
    hv = jax.random.normal(ks[0], (N, D), dtype=jnp.float32)
    edge_index = jax.random.randint(ks[1], (2, E), 0, N, dtype=jnp.int32)
    he = jax.random.normal(ks[2], (E, 1), dtype=jnp.float32)
    # per-round message linear: Linear(2D+1 -> 2D)
    W_msg = jax.random.normal(ks[3], (T, 2 * D, 2 * D + 1), dtype=jnp.float32) * 0.05
    b_msg = jnp.zeros((T, 2 * D), dtype=jnp.float32)
    # per-round GRUCell(2D -> D)
    W_ih = jax.random.normal(ks[4], (T, 3 * D, 2 * D), dtype=jnp.float32) * 0.05
    W_hh = jax.random.normal(ks[5], (T, 3 * D, D), dtype=jnp.float32) * 0.05
    b_ih = jnp.zeros((T, 3 * D), dtype=jnp.float32)
    b_hh = jnp.zeros((T, 3 * D), dtype=jnp.float32)
    return {"hv": hv, "edge_index": edge_index, "he": he,
            "W_msg": W_msg, "b_msg": b_msg,
            "W_ih": W_ih, "W_hh": W_hh, "b_ih": b_ih, "b_hh": b_hh}


def reference(hv, edge_index, he, W_msg, b_msg, W_ih, W_hh, b_ih, b_hh):
    src = edge_index[0]
    dst = edge_index[1]
    n = hv.shape[0]
    n_rounds = W_msg.shape[0]
    for t in range(n_rounds):
        # DGMG message for edge u->v: concat([hv_v (old dst state), hv_u, x_uv])
        h_dst = jnp.take(hv, dst, axis=0)
        h_src = jnp.take(hv, src, axis=0)
        m = jnp.concatenate([h_dst, h_src, he], axis=1)  # [E, 2D+1]
        act_e = m @ W_msg[t].T + b_msg[t]                # [E, 2D]
        a = jax.ops.segment_sum(act_e, dst, num_segments=n)  # [N, 2D]
        hv = gru_cell(a, hv, W_ih[t], W_hh[t], b_ih[t], b_hh[t])
    return hv

if __name__ == "__main__":
    import jax
    _d = setup_inputs()
    print(jax.jit(kernel)(*tuple(_d.values())))

</pallas_src>

<mosaic_0001>
#map = affine_map<(d0, d1) -> (0, 0)>
#map1 = affine_map<(d0, d1) -> (0)>
#map2 = affine_map<(d0, d1) -> (0, 0, 0)>
module attributes {stable_mosaic.version = 14 : i64} {
  func.func @body(%arg0: i32, %arg1: i32, %arg2: memref<10000x128xf32, #tpu.memory_space<hbm>>, %arg3: memref<323584xi32, #tpu.memory_space<hbm>>, %arg4: memref<323584xi32, #tpu.memory_space<hbm>>, %arg5: memref<323584xf32, #tpu.memory_space<hbm>>, %arg6: memref<640x128xf32, #tpu.memory_space<hbm>>, %arg7: memref<10240xf32, #tpu.memory_space<hbm>>, %arg8: memref<2x10240x128xf32, #tpu.memory_space<hbm>>, %arg9: memref<32x10240xf32, #tpu.memory_space<hbm>>, %arg10: memref<32x10240xf32, #tpu.memory_space<hbm>>, %arg11: memref<10240x128xf32, #tpu.memory_space<vmem_shared>>, %arg12: memref<128xi32, #tpu.memory_space<vmem>>, %arg13: memref<128xi32, #tpu.memory_space<vmem>>, %arg14: memref<128x128xf32, #tpu.memory_space<vmem>>, %arg15: memref<!tpu.dma_semaphore, #tpu.memory_space<semaphore_mem>>, %arg16: memref<128xf32, #tpu.memory_space<vmem>>, %arg17: memref<10240xf32, #tpu.memory_space<vmem>>, %arg18: memref<10240xf32, #tpu.memory_space<vmem>>) attributes {dimension_semantics = [#tpu.dimension_semantics<core_parallel>, #tpu.dimension_semantics<subcore_parallel>], iteration_bounds = array<i64: 2, 16>, scalar_prefetch = 0 : i64, scratch_operands = 8 : i64, tpu.core_type = #tpu.core_type<sc_vector_subcore>, window_params = [{transform_indices = #map}, {transform_indices = #map1}, {transform_indices = #map1}, {transform_indices = #map1}, {transform_indices = #map}, {transform_indices = #map1}, {transform_indices = #map2}, {transform_indices = #map}, {transform_indices = #map}]} {
    %mul3A = arith.constant 2 : i32
    %mul3A_0 = arith.muli %arg1, %mul3A : i32
    %add3A = arith.addi %mul3A_0, %arg0 : i32
    %mul3A_1 = arith.constant 640 : i32
    %mul3A_2 = arith.muli %arg1, %mul3A_1 : i32
    "tpu.region"() ({
      %run_scoped3A = tpu.sem_alloc : memref<!tpu.dma_semaphore, #tpu.memory_space<semaphore_mem>>
      %dma_start3A = arith.constant 0 : i32
      %dma_start3A_16 = tpu.memref_slice %arg11[%mul3A_2, %dma_start3A] : memref<10240x128xf32, #tpu.memory_space<vmem_shared>> -> memref<640x128xf32, #tpu.memory_space<vmem_shared>>
      tpu.enqueue_dma source(%arg6 : memref<640x128xf32, #tpu.memory_space<hbm>>) target(%dma_start3A_16 : memref<640x128xf32, #tpu.memory_space<vmem_shared>>) target_semaphore(%run_scoped3A : memref<!tpu.dma_semaphore, #tpu.memory_space<semaphore_mem>>)
      %dma_wait3A = arith.constant 0 : i32
      %dma_wait3A_17 = tpu.memref_slice %arg11[%mul3A_2, %dma_wait3A] : memref<10240x128xf32, #tpu.memory_space<vmem_shared>> -> memref<640x128xf32, #tpu.memory_space<vmem_shared>>
      tpu.wait_dma2 semaphore(%run_scoped3A : memref<!tpu.dma_semaphore, #tpu.memory_space<semaphore_mem>>) src(%arg6 : memref<640x128xf32, #tpu.memory_space<hbm>>) dst(%dma_wait3A_17 : memref<640x128xf32, #tpu.memory_space<vmem_shared>>)
      tpu.yield
    }) : () -> ()
    "tpu.region"() ({
      %run_scoped3A = tpu.sem_alloc : memref<!tpu.dma_semaphore, #tpu.memory_space<semaphore_mem>>
      tpu.enqueue_dma source(%arg7 : memref<10240xf32, #tpu.memory_space<hbm>>) target(%arg17 : memref<10240xf32, #tpu.memory_space<vmem>>) target_semaphore(%run_scoped3A : memref<!tpu.dma_semaphore, #tpu.memory_space<semaphore_mem>>)
      tpu.wait_dma2 semaphore(%run_scoped3A : memref<!tpu.dma_semaphore, #tpu.memory_space<semaphore_mem>>) src(%arg7 : memref<10240xf32, #tpu.memory_space<hbm>>) dst(%arg17 : memref<10240xf32, #tpu.memory_space<vmem>>)
      tpu.yield
    }) : () -> ()
    "tpu.region"() ({
      %run_scoped3A = tpu.sem_alloc : memref<!tpu.dma_semaphore, #tpu.memory_space<semaphore_mem>>
      tpu.enqueue_dma source(%arg7 : memref<10240xf32, #tpu.memory_space<hbm>>) target(%arg18 : memref<10240xf32, #tpu.memory_space<vmem>>) target_semaphore(%run_scoped3A : memref<!tpu.dma_semaphore, #tpu.memory_space<semaphore_mem>>)
      tpu.wait_dma2 semaphore(%run_scoped3A : memref<!tpu.dma_semaphore, #tpu.memory_space<semaphore_mem>>) src(%arg7 : memref<10240xf32, #tpu.memory_space<hbm>>) dst(%arg18 : memref<10240xf32, #tpu.memory_space<vmem>>)
      tpu.yield
    }) : () -> ()
    %barrier3A = arith.constant 0 : index
    tpu.barrier barrier_id(%barrier3A)
    %mul3A_3 = arith.constant 10112 : i32
    %mul3A_4 = arith.muli %add3A, %mul3A_3 : i32
    %broadcast_in_dim3A = arith.constant 1.000000e+00 : f32
    %broadcast_in_dim3A_5 = vector.broadcast %broadcast_in_dim3A : f32 to vector<16xf32>
    %scan3A = arith.constant 0 : i32
    %scan3A_6 = arith.constant 0 : i32
    %scan3A_7 = arith.constant 79 : i32
    %scan3A_8 = arith.addi %scan3A_6, %scan3A_7 : i32
    %scan3A_9 = arith.constant 1 : i32
    scf.for %scan3A_16 = %scan3A_6 to %scan3A_8 step %scan3A_9  : i32 {
      %mul3A_17 = arith.constant 128 : i32
      %mul3A_18 = arith.muli %scan3A_16, %mul3A_17 : i32
      %add3A_19 = arith.addi %mul3A_4, %mul3A_18 : i32
      "tpu.region"() ({
        %run_scoped3A = tpu.sem_alloc : memref<!tpu.dma_semaphore, #tpu.memory_space<semaphore_mem>>
        %dma_start3A_55 = tpu.memref_slice %arg3[%add3A_19] : memref<323584xi32, #tpu.memory_space<hbm>> -> memref<128xi32, #tpu.memory_space<hbm>>
        %dma_start3A_56 = tpu.memref_slice %arg3[%add3A_19] : memref<323584xi32, #tpu.memory_space<hbm>> -> memref<128xi32, #tpu.memory_space<hbm>>
        tpu.enqueue_dma source(%dma_start3A_56 : memref<128xi32, #tpu.memory_space<hbm>>) target(%arg12 : memref<128xi32, #tpu.memory_space<vmem>>) target_semaphore(%run_scoped3A : memref<!tpu.dma_semaphore, #tpu.memory_space<semaphore_mem>>)
        %dma_wait3A_57 = tpu.memref_slice %arg3[%add3A_19] : memref<323584xi32, #tpu.memory_space<hbm>> -> memref<128xi32, #tpu.memory_space<hbm>>
        %dma_wait3A_58 = tpu.memref_slice %arg3[%add3A_19] : memref<323584xi32, #tpu.memory_space<hbm>> -> memref<128xi32, #tpu.memory_space<hbm>>
        tpu.wait_dma2 semaphore(%run_scoped3A : memref<!tpu.dma_semaphore, #tpu.memory_space<semaphore_mem>>) src(%dma_wait3A_58 : memref<128xi32, #tpu.memory_space<hbm>>) dst(%arg12 : memref<128xi32, #tpu.memory_space<vmem>>)
        tpu.yield
      }) : () -> ()
      "tpu.region"() ({
        %run_scoped3A = tpu.sem_alloc : memref<!tpu.dma_semaphore, #tpu.memory_space<semaphore_mem>>
        %dma_start3A_55 = tpu.memref_slice %arg4[%add3A_19] : memref<323584xi32, #tpu.memory_space<hbm>> -> memref<128xi32, #tpu.memory_space<hbm>>
        %dma_start3A_56 = tpu.memref_slice %arg4[%add3A_19] : memref<323584xi32, #tpu.memory_space<hbm>> -> memref<128xi32, #tpu.memory_space<hbm>>
        tpu.enqueue_dma source(%dma_start3A_56 : memref<128xi32, #tpu.memory_space<hbm>>) target(%arg13 : memref<128xi32, #tpu.memory_space<vmem>>) target_semaphore(%run_scoped3A : memref<!tpu.dma_semaphore, #tpu.memory_space<semaphore_mem>>)
        %dma_wait3A_57 = tpu.memref_slice %arg4[%add3A_19] : memref<323584xi32, #tpu.memory_space<hbm>> -> memref<128xi32, #tpu.memory_space<hbm>>
        %dma_wait3A_58 = tpu.memref_slice %arg4[%add3A_19] : memref<323584xi32, #tpu.memory_space<hbm>> -> memref<128xi32, #tpu.memory_space<hbm>>
        tpu.wait_dma2 semaphore(%run_scoped3A : memref<!tpu.dma_semaphore, #tpu.memory_space<semaphore_mem>>) src(%dma_wait3A_58 : memref<128xi32, #tpu.memory_space<hbm>>) dst(%arg13 : memref<128xi32, #tpu.memory_space<vmem>>)
        tpu.yield
      }) : () -> ()
      %dma_start3A = arith.constant 0 : i32
      %dma_start3A_20 = arith.constant 0 : i32
      %dma_start3A_21 = tpu.memref_slice %arg2[%dma_start3A, %dma_start3A_20] : memref<10000x128xf32, #tpu.memory_space<hbm>> -> memref<10000x128xf32, #tpu.memory_space<hbm>>
      tpu.enqueue_indirect_dma source(%dma_start3A_21 : memref<10000x128xf32, #tpu.memory_space<hbm>>) target(%arg14 : memref<128x128xf32, #tpu.memory_space<vmem>>) offsets(%arg12 : memref<128xi32, #tpu.memory_space<vmem>>) semaphore(%arg15 : memref<!tpu.dma_semaphore, #tpu.memory_space<semaphore_mem>>)
      %dma_wait3A = arith.constant 0 : i32
      %dma_wait3A_22 = arith.constant 0 : i32
      %dma_wait3A_23 = tpu.memref_slice %arg2[%dma_wait3A, %dma_wait3A_22] : memref<10000x128xf32, #tpu.memory_space<hbm>> -> memref<10000x128xf32, #tpu.memory_space<hbm>>
      tpu.wait_indirect_dma semaphore(%arg15 : memref<!tpu.dma_semaphore, #tpu.memory_space<semaphore_mem>>) src(%dma_wait3A_23 : memref<10000x128xf32, #tpu.memory_space<hbm>>) dst(%arg14 : memref<128x128xf32, #tpu.memory_space<vmem>>)
      "tpu.region"() ({
        %run_scoped3A = tpu.sem_alloc : memref<!tpu.dma_semaphore, #tpu.memory_space<semaphore_mem>>
        %dma_start3A_55 = arith.constant 0 : i32
        %dma_start3A_56 = arith.constant 0 : i32
        %dma_start3A_57 = tpu.memref_slice %arg11[%dma_start3A_55, %dma_start3A_56] : memref<10240x128xf32, #tpu.memory_space<vmem_shared>> -> memref<10240x128xf32, #tpu.memory_space<vmem_shared>>
        tpu.enqueue_indirect_dma source(%arg14 : memref<128x128xf32, #tpu.memory_space<vmem>>) target(%dma_start3A_57 : memref<10240x128xf32, #tpu.memory_space<vmem_shared>>) offsets(%arg13 : memref<128xi32, #tpu.memory_space<vmem>>) semaphore(%run_scoped3A : memref<!tpu.dma_semaphore, #tpu.memory_space<semaphore_mem>>) {add = true}
        %dma_wait3A_58 = arith.constant 0 : i32
        %dma_wait3A_59 = arith.constant 0 : i32
        %dma_wait3A_60 = tpu.memref_slice %arg11[%dma_wait3A_58, %dma_wait3A_59] : memref<10240x128xf32, #tpu.memory_space<vmem_shared>> -> memref<10240x128xf32, #tpu.memory_space<vmem_shared>>
        tpu.wait_indirect_dma semaphore(%run_scoped3A : memref<!tpu.dma_semaphore, #tpu.memory_space<semaphore_mem>>) src(%arg14 : memref<128x128xf32, #tpu.memory_space<vmem>>) dst(%dma_wait3A_60 : memref<10240x128xf32, #tpu.memory_space<vmem_shared>>)
        tpu.yield
      }) : () -> ()
      "tpu.region"() ({
        %run_scoped3A = tpu.sem_alloc : memref<!tpu.dma_semaphore, #tpu.memory_space<semaphore_mem>>
        %dma_start3A_55 = tpu.memref_slice %arg5[%add3A_19] : memref<323584xf32, #tpu.memory_space<hbm>> -> memref<128xf32, #tpu.memory_space<hbm>>
        %dma_start3A_56 = tpu.memref_slice %arg5[%add3A_19] : memref<323584xf32, #tpu.memory_space<hbm>> -> memref<128xf32, #tpu.memory_space<hbm>>
        tpu.enqueue_dma source(%dma_start3A_56 : memref<128xf32, #tpu.memory_space<hbm>>) target(%arg16 : memref<128xf32, #tpu.memory_space<vmem>>) target_semaphore(%run_scoped3A : memref<!tpu.dma_semaphore, #tpu.memory_space<semaphore_mem>>)
        %dma_wait3A_57 = tpu.memref_slice %arg5[%add3A_19] : memref<323584xf32, #tpu.memory_space<hbm>> -> memref<128xf32, #tpu.memory_space<hbm>>
        %dma_wait3A_58 = tpu.memref_slice %arg5[%add3A_19] : memref<323584xf32, #tpu.memory_space<hbm>> -> memref<128xf32, #tpu.memory_space<hbm>>
        tpu.wait_dma2 semaphore(%run_scoped3A : memref<!tpu.dma_semaphore, #tpu.memory_space<semaphore_mem>>) src(%dma_wait3A_58 : memref<128xf32, #tpu.memory_space<hbm>>) dst(%arg16 : memref<128xf32, #tpu.memory_space<vmem>>)
        tpu.yield
      }) : () -> ()
      %get3A = arith.constant 0 : index
      %get3A_24 = tpu.vector_load %arg13[%get3A] {strides = array<i32>} : memref<128xi32, #tpu.memory_space<vmem>>, vector<16xi32>,
      tpu.vector_store_idx %arg17[%get3A_24], %broadcast_in_dim3A_5 {add = true} : memref<10240xf32, #tpu.memory_space<vmem>>[vector<16xi32>], vector<16xf32>,
      %get3A_25 = arith.constant 0 : index
      %get3A_26 = tpu.vector_load %arg16[%get3A_25] {strides = array<i32>} : memref<128xf32, #tpu.memory_space<vmem>>, vector<16xf32>,
      tpu.vector_store_idx %arg18[%get3A_24], %get3A_26 {add = true} : memref<10240xf32, #tpu.memory_space<vmem>>[vector<16xi32>], vector<16xf32>,
      %get3A_27 = arith.constant 16 : index
      %get3A_28 = tpu.vector_load %arg13[%get3A_27] {strides = array<i32>} : memref<128xi32, #tpu.memory_space<vmem>>, vector<16xi32>,
      tpu.vector_store_idx %arg17[%get3A_28], %broadcast_in_dim3A_5 {add = true} : memref<10240xf32, #tpu.memory_space<vmem>>[vector<16xi32>], vector<16xf32>,
      %get3A_29 = arith.constant 16 : index
      %get3A_30 = tpu.vector_load %arg16[%get3A_29] {strides = array<i32>} : memref<128xf32, #tpu.memory_space<vmem>>, vector<16xf32>,
      tpu.vector_store_idx %arg18[%get3A_28], %get3A_30 {add = true} : memref<10240xf32, #tpu.memory_space<vmem>>[vector<16xi32>], vector<16xf32>,
      %get3A_31 = arith.constant 32 : index
      %get3A_32 = tpu.vector_load %arg13[%get3A_31] {strides = array<i32>} : memref<128xi32, #tpu.memory_space<vmem>>, vector<16xi32>,
      tpu.vector_store_idx %arg17[%get3A_32], %broadcast_in_dim3A_5 {add = true} : memref<10240xf32, #tpu.memory_space<vmem>>[vector<16xi32>], vector<16xf32>,
      %get3A_33 = arith.constant 32 : index
      %get3A_34 = tpu.vector_load %arg16[%get3A_33] {strides = array<i32>} : memref<128xf32, #tpu.memory_space<vmem>>, vector<16xf32>,
      tpu.vector_store_idx %arg18[%get3A_32], %get3A_34 {add = true} : memref<10240xf32, #tpu.memory_space<vmem>>[vector<16xi32>], vector<16xf32>,
      %get3A_35 = arith.constant 48 : index
      %get3A_36 = tpu.vector_load %arg13[%get3A_35] {strides = array<i32>} : memref<128xi32, #tpu.memory_space<vmem>>, vector<16xi32>,
      tpu.vector_store_idx %arg17[%get3A_36], %broadcast_in_dim3A_5 {add = true} : memref<10240xf32, #tpu.memory_space<vmem>>[vector<16xi32>], vector<16xf32>,
      %get3A_37 = arith.constant 48 : index
      %get3A_38 = tpu.vector_load %arg16[%get3A_37] {strides = array<i32>} : memref<128xf32, #tpu.memory_space<vmem>>, vector<16xf32>,
      tpu.vector_store_idx %arg18[%get3A_36], %get3A_38 {add = true} : memref<10240xf32, #tpu.memory_space<vmem>>[vector<16xi32>], vector<16xf32>,
      %get3A_39 = arith.constant 64 : index
      %get3A_40 = tpu.vector_load %arg13[%get3A_39] {strides = array<i32>} : memref<128xi32, #tpu.memory_space<vmem>>, vector<16xi32>,
      tpu.vector_store_idx %arg17[%get3A_40], %broadcast_in_dim3A_5 {add = true} : memref<10240xf32, #tpu.memory_space<vmem>>[vector<16xi32>], vector<16xf32>,
      %get3A_41 = arith.constant 64 : index
      %get3A_42 = tpu.vector_load %arg16[%get3A_41] {strides = array<i32>} : memref<128xf32, #tpu.memory_space<vmem>>, vector<16xf32>,
      tpu.vector_store_idx %arg18[%get3A_40], %get3A_42 {add = true} : memref<10240xf32, #tpu.memory_space<vmem>>[vector<16xi32>], vector<16xf32>,
      %get3A_43 = arith.constant 80 : index
      %get3A_44 = tpu.vector_load %arg13[%get3A_43] {strides = array<i32>} : memref<128xi32, #tpu.memory_space<vmem>>, vector<16xi32>,
      tpu.vector_store_idx %arg17[%get3A_44], %broadcast_in_dim3A_5 {add = true} : memref<10240xf32, #tpu.memory_space<vmem>>[vector<16xi32>], vector<16xf32>,
      %get3A_45 = arith.constant 80 : index
      %get3A_46 = tpu.vector_load %arg16[%get3A_45] {strides = array<i32>} : memref<128xf32, #tpu.memory_space<vmem>>, vector<16xf32>,
      tpu.vector_store_idx %arg18[%get3A_44], %get3A_46 {add = true} : memref<10240xf32, #tpu.memory_space<vmem>>[vector<16xi32>], vector<16xf32>,
      %get3A_47 = arith.constant 96 : index
      %get3A_48 = tpu.vector_load %arg13[%get3A_47] {strides = array<i32>} : memref<128xi32, #tpu.memory_space<vmem>>, vector<16xi32>,
      tpu.vector_store_idx %arg17[%get3A_48], %broadcast_in_dim3A_5 {add = true} : memref<10240xf32, #tpu.memory_space<vmem>>[vector<16xi32>], vector<16xf32>,
      %get3A_49 = arith.constant 96 : index
      %get3A_50 = tpu.vector_load %arg16[%get3A_49] {strides = array<i32>} : memref<128xf32, #tpu.memory_space<vmem>>, vector<16xf32>,
      tpu.vector_store_idx %arg18[%get3A_48], %get3A_50 {add = true} : memref<10240xf32, #tpu.memory_space<vmem>>[vector<16xi32>], vector<16xf32>,
      %get3A_51 = arith.constant 112 : index
      %get3A_52 = tpu.vector_load %arg13[%get3A_51] {strides = array<i32>} : memref<128xi32, #tpu.memory_space<vmem>>, vector<16xi32>,
      tpu.vector_store_idx %arg17[%get3A_52], %broadcast_in_dim3A_5 {add = true} : memref<10240xf32, #tpu.memory_space<vmem>>[vector<16xi32>], vector<16xf32>,
      %get3A_53 = arith.constant 112 : index
      %get3A_54 = tpu.vector_load %arg16[%get3A_53] {strides = array<i32>} : memref<128xf32, #tpu.memory_space<vmem>>, vector<16xf32>,
      tpu.vector_store_idx %arg18[%get3A_52], %get3A_54 {add = true} : memref<10240xf32, #tpu.memory_space<vmem>>[vector<16xi32>], vector<16xf32>,
    }
    %scan3A_10 = arith.constant 79 : i32
    %barrier3A_11 = arith.constant 0 : index
    tpu.barrier barrier_id(%barrier3A_11)
    %mul3A_12 = arith.constant 640 : i32
    %mul3A_13 = arith.muli %arg1, %mul3A_12 : i32
    %mul3A_14 = arith.constant 640 : i32
    %mul3A_15 = arith.muli %arg1, %mul3A_14 : i32
    "tpu.region"() ({
      %run_scoped3A = tpu.sem_alloc : memref<!tpu.dma_semaphore, #tpu.memory_space<semaphore_mem>>
      %dma_start3A = arith.constant 0 : i32
      %dma_start3A_16 = tpu.memref_slice %arg8[%arg0, %mul3A_15, %dma_start3A] : memref<2x10240x128xf32, #tpu.memory_space<hbm>> -> memref<1x640x128xf32, #tpu.memory_space<hbm>>
      %dma_start3A_17 = tpu.memref_squeeze %dma_start3A_16 : memref<1x640x128xf32, #tpu.memory_space<hbm>> -> memref<640x128xf32, #tpu.memory_space<hbm>>
      %dma_start3A_18 = arith.constant 0 : i32
      %dma_start3A_19 = tpu.memref_slice %arg11[%mul3A_13, %dma_start3A_18] : memref<10240x128xf32, #tpu.memory_space<vmem_shared>> -> memref<640x128xf32, #tpu.memory_space<vmem_shared>>
      tpu.enqueue_dma source(%dma_start3A_19 : memref<640x128xf32, #tpu.memory_space<vmem_shared>>) target(%dma_start3A_17 : memref<640x128xf32, #tpu.memory_space<hbm>>) target_semaphore(%run_scoped3A : memref<!tpu.dma_semaphore, #tpu.memory_space<semaphore_mem>>)
      %dma_wait3A = arith.constant 0 : i32
      %dma_wait3A_20 = tpu.memref_slice %arg8[%arg0, %mul3A_15, %dma_wait3A] : memref<2x10240x128xf32, #tpu.memory_space<hbm>> -> memref<1x640x128xf32, #tpu.memory_space<hbm>>
      %dma_wait3A_21 = tpu.memref_squeeze %dma_wait3A_20 : memref<1x640x128xf32, #tpu.memory_space<hbm>> -> memref<640x128xf32, #tpu.memory_space<hbm>>
      %dma_wait3A_22 = arith.constant 0 : i32
      %dma_wait3A_23 = tpu.memref_slice %arg11[%mul3A_13, %dma_wait3A_22] : memref<10240x128xf32, #tpu.memory_space<vmem_shared>> -> memref<640x128xf32, #tpu.memory_space<vmem_shared>>
      tpu.wait_dma2 semaphore(%run_scoped3A : memref<!tpu.dma_semaphore, #tpu.memory_space<semaphore_mem>>) src(%dma_wait3A_23 : memref<640x128xf32, #tpu.memory_space<vmem_shared>>) dst(%dma_wait3A_21 : memref<640x128xf32, #tpu.memory_space<hbm>>)
      tpu.yield
    }) : () -> ()
    "tpu.region"() ({
      %run_scoped3A = tpu.sem_alloc : memref<!tpu.dma_semaphore, #tpu.memory_space<semaphore_mem>>
      %dma_start3A = arith.constant 0 : i32
      %dma_start3A_16 = tpu.memref_slice %arg9[%add3A, %dma_start3A] : memref<32x10240xf32, #tpu.memory_space<hbm>> -> memref<1x10240xf32, #tpu.memory_space<hbm>>
      %dma_start3A_17 = tpu.memref_squeeze %dma_start3A_16 : memref<1x10240xf32, #tpu.memory_space<hbm>> -> memref<10240xf32, #tpu.memory_space<hbm>>
      %dma_start3A_18 = arith.constant 0 : i32
      %dma_start3A_19 = tpu.memref_slice %arg9[%add3A, %dma_start3A_18] : memref<32x10240xf32, #tpu.memory_space<hbm>> -> memref<1x10240xf32, #tpu.memory_space<hbm>>
      %dma_start3A_20 = tpu.memref_squeeze %dma_start3A_19 : memref<1x10240xf32, #tpu.memory_space<hbm>> -> memref<10240xf32, #tpu.memory_space<hbm>>
      tpu.enqueue_dma source(%arg17 : memref<10240xf32, #tpu.memory_space<vmem>>) target(%dma_start3A_20 : memref<10240xf32, #tpu.memory_space<hbm>>) target_semaphore(%run_scoped3A : memref<!tpu.dma_semaphore, #tpu.memory_space<semaphore_mem>>)
      %dma_wait3A = arith.constant 0 : i32
      %dma_wait3A_21 = tpu.memref_slice %arg9[%add3A, %dma_wait3A] : memref<32x10240xf32, #tpu.memory_space<hbm>> -> memref<1x10240xf32, #tpu.memory_space<hbm>>
      %dma_wait3A_22 = tpu.memref_squeeze %dma_wait3A_21 : memref<1x10240xf32, #tpu.memory_space<hbm>> -> memref<10240xf32, #tpu.memory_space<hbm>>
      %dma_wait3A_23 = arith.constant 0 : i32
      %dma_wait3A_24 = tpu.memref_slice %arg9[%add3A, %dma_wait3A_23] : memref<32x10240xf32, #tpu.memory_space<hbm>> -> memref<1x10240xf32, #tpu.memory_space<hbm>>
      %dma_wait3A_25 = tpu.memref_squeeze %dma_wait3A_24 : memref<1x10240xf32, #tpu.memory_space<hbm>> -> memref<10240xf32, #tpu.memory_space<hbm>>
      tpu.wait_dma2 semaphore(%run_scoped3A : memref<!tpu.dma_semaphore, #tpu.memory_space<semaphore_mem>>) src(%arg17 : memref<10240xf32, #tpu.memory_space<vmem>>) dst(%dma_wait3A_25 : memref<10240xf32, #tpu.memory_space<hbm>>)
      tpu.yield
    }) : () -> ()
    "tpu.region"() ({
      %run_scoped3A = tpu.sem_alloc : memref<!tpu.dma_semaphore, #tpu.memory_space<semaphore_mem>>
      %dma_start3A = arith.constant 0 : i32
      %dma_start3A_16 = tpu.memref_slice %arg10[%add3A, %dma_start3A] : memref<32x10240xf32, #tpu.memory_space<hbm>> -> memref<1x10240xf32, #tpu.memory_space<hbm>>
      %dma_start3A_17 = tpu.memref_squeeze %dma_start3A_16 : memref<1x10240xf32, #tpu.memory_space<hbm>> -> memref<10240xf32, #tpu.memory_space<hbm>>
      %dma_start3A_18 = arith.constant 0 : i32
      %dma_start3A_19 = tpu.memref_slice %arg10[%add3A, %dma_start3A_18] : memref<32x10240xf32, #tpu.memory_space<hbm>> -> memref<1x10240xf32, #tpu.memory_space<hbm>>
      %dma_start3A_20 = tpu.memref_squeeze %dma_start3A_19 : memref<1x10240xf32, #tpu.memory_space<hbm>> -> memref<10240xf32, #tpu.memory_space<hbm>>
      tpu.enqueue_dma source(%arg18 : memref<10240xf32, #tpu.memory_space<vmem>>) target(%dma_start3A_20 : memref<10240xf32, #tpu.memory_space<hbm>>) target_semaphore(%run_scoped3A : memref<!tpu.dma_semaphore, #tpu.memory_space<semaphore_mem>>)
      %dma_wait3A = arith.constant 0 : i32
      %dma_wait3A_21 = tpu.memref_slice %arg10[%add3A, %dma_wait3A] : memref<32x10240xf32, #tpu.memory_space<hbm>> -> memref<1x10240xf32, #tpu.memory_space<hbm>>
      %dma_wait3A_22 = tpu.memref_squeeze %dma_wait3A_21 : memref<1x10240xf32, #tpu.memory_space<hbm>> -> memref<10240xf32, #tpu.memory_space<hbm>>
      %dma_wait3A_23 = arith.constant 0 : i32
      %dma_wait3A_24 = tpu.memref_slice %arg10[%add3A, %dma_wait3A_23] : memref<32x10240xf32, #tpu.memory_space<hbm>> -> memref<1x10240xf32, #tpu.memory_space<hbm>>
      %dma_wait3A_25 = tpu.memref_squeeze %dma_wait3A_24 : memref<1x10240xf32, #tpu.memory_space<hbm>> -> memref<10240xf32, #tpu.memory_space<hbm>>
      tpu.wait_dma2 semaphore(%run_scoped3A : memref<!tpu.dma_semaphore, #tpu.memory_space<semaphore_mem>>) src(%arg18 : memref<10240xf32, #tpu.memory_space<vmem>>) dst(%dma_wait3A_25 : memref<10240xf32, #tpu.memory_space<hbm>>)
      tpu.yield
    }) : () -> ()
    return
  }
}

#map = affine_map<(d0, d1) -> (0, 0)>
#map1 = affine_map<(d0, d1) -> (0)>
#map2 = affine_map<(d0, d1) -> (0, 0, 0)>
module attributes {stable_mosaic.version = 14 : i64} {
  func.func @body(%arg0: i32, %arg1: i32, %arg2: memref<10000x128xf32, #tpu.memory_space<hbm>>, %arg3: memref<323584xi32, #tpu.memory_space<hbm>>, %arg4: memref<323584xi32, #tpu.memory_space<hbm>>, %arg5: memref<323584xf32, #tpu.memory_space<hbm>>, %arg6: memref<640x128xf32, #tpu.memory_space<hbm>>, %arg7: memref<10240xf32, #tpu.memory_space<hbm>>, %arg8: memref<2x10240x128xf32, #tpu.memory_space<hbm>>, %arg9: memref<10240x128xf32, #tpu.memory_space<vmem_shared>>, %arg10: memref<128xi32, #tpu.memory_space<vmem>>, %arg11: memref<128xi32, #tpu.memory_space<vmem>>, %arg12: memref<128x128xf32, #tpu.memory_space<vmem>>, %arg13: memref<!tpu.dma_semaphore, #tpu.memory_space<semaphore_mem>>) attributes {dimension_semantics = [#tpu.dimension_semantics<core_parallel>, #tpu.dimension_semantics<subcore_parallel>], iteration_bounds = array<i64: 2, 16>, scalar_prefetch = 0 : i64, scratch_operands = 5 : i64, tpu.core_type = #tpu.core_type<sc_vector_subcore>, window_params = [{transform_indices = #map}, {transform_indices = #map1}, {transform_indices = #map1}, {transform_indices = #map1}, {transform_indices = #map}, {transform_indices = #map1}, {transform_indices = #map2}]} {
    %mul3A = arith.constant 2 : i32
    %mul3A_0 = arith.muli %arg1, %mul3A : i32
    %add3A = arith.addi %mul3A_0, %arg0 : i32
    %mul3A_1 = arith.constant 640 : i32
    %mul3A_2 = arith.muli %arg1, %mul3A_1 : i32
    "tpu.region"() ({
      %run_scoped3A = tpu.sem_alloc : memref<!tpu.dma_semaphore, #tpu.memory_space<semaphore_mem>>
      %dma_start3A = arith.constant 0 : i32
      %dma_start3A_16 = tpu.memref_slice %arg9[%mul3A_2, %dma_start3A] : memref<10240x128xf32, #tpu.memory_space<vmem_shared>> -> memref<640x128xf32, #tpu.memory_space<vmem_shared>>
      tpu.enqueue_dma source(%arg6 : memref<640x128xf32, #tpu.memory_space<hbm>>) target(%dma_start3A_16 : memref<640x128xf32, #tpu.memory_space<vmem_shared>>) target_semaphore(%run_scoped3A : memref<!tpu.dma_semaphore, #tpu.memory_space<semaphore_mem>>)
      %dma_wait3A = arith.constant 0 : i32
      %dma_wait3A_17 = tpu.memref_slice %arg9[%mul3A_2, %dma_wait3A] : memref<10240x128xf32, #tpu.memory_space<vmem_shared>> -> memref<640x128xf32, #tpu.memory_space<vmem_shared>>
      tpu.wait_dma2 semaphore(%run_scoped3A : memref<!tpu.dma_semaphore, #tpu.memory_space<semaphore_mem>>) src(%arg6 : memref<640x128xf32, #tpu.memory_space<hbm>>) dst(%dma_wait3A_17 : memref<640x128xf32, #tpu.memory_space<vmem_shared>>)
      tpu.yield
    }) : () -> ()
    %barrier3A = arith.constant 0 : index
    tpu.barrier barrier_id(%barrier3A)
    %mul3A_3 = arith.constant 10112 : i32
    %mul3A_4 = arith.muli %add3A, %mul3A_3 : i32
    %broadcast_in_dim3A = arith.constant 1.000000e+00 : f32
    %broadcast_in_dim3A_5 = vector.broadcast %broadcast_in_dim3A : f32 to vector<16xf32>
    %scan3A = arith.constant 0 : i32
    %scan3A_6 = arith.constant 0 : i32
    %scan3A_7 = arith.constant 79 : i32
    %scan3A_8 = arith.addi %scan3A_6, %scan3A_7 : i32
    %scan3A_9 = arith.constant 1 : i32
    scf.for %scan3A_16 = %scan3A_6 to %scan3A_8 step %scan3A_9  : i32 {
      %mul3A_17 = arith.constant 128 : i32
      %mul3A_18 = arith.muli %scan3A_16, %mul3A_17 : i32
      %add3A_19 = arith.addi %mul3A_4, %mul3A_18 : i32
      "tpu.region"() ({
        %run_scoped3A = tpu.sem_alloc : memref<!tpu.dma_semaphore, #tpu.memory_space<semaphore_mem>>
        %dma_start3A_24 = tpu.memref_slice %arg3[%add3A_19] : memref<323584xi32, #tpu.memory_space<hbm>> -> memref<128xi32, #tpu.memory_space<hbm>>
        %dma_start3A_25 = tpu.memref_slice %arg3[%add3A_19] : memref<323584xi32, #tpu.memory_space<hbm>> -> memref<128xi32, #tpu.memory_space<hbm>>
        tpu.enqueue_dma source(%dma_start3A_25 : memref<128xi32, #tpu.memory_space<hbm>>) target(%arg10 : memref<128xi32, #tpu.memory_space<vmem>>) target_semaphore(%run_scoped3A : memref<!tpu.dma_semaphore, #tpu.memory_space<semaphore_mem>>)
        %dma_wait3A_26 = tpu.memref_slice %arg3[%add3A_19] : memref<323584xi32, #tpu.memory_space<hbm>> -> memref<128xi32, #tpu.memory_space<hbm>>
        %dma_wait3A_27 = tpu.memref_slice %arg3[%add3A_19] : memref<323584xi32, #tpu.memory_space<hbm>> -> memref<128xi32, #tpu.memory_space<hbm>>
        tpu.wait_dma2 semaphore(%run_scoped3A : memref<!tpu.dma_semaphore, #tpu.memory_space<semaphore_mem>>) src(%dma_wait3A_27 : memref<128xi32, #tpu.memory_space<hbm>>) dst(%arg10 : memref<128xi32, #tpu.memory_space<vmem>>)
        tpu.yield
      }) : () -> ()
      "tpu.region"() ({
        %run_scoped3A = tpu.sem_alloc : memref<!tpu.dma_semaphore, #tpu.memory_space<semaphore_mem>>
        %dma_start3A_24 = tpu.memref_slice %arg4[%add3A_19] : memref<323584xi32, #tpu.memory_space<hbm>> -> memref<128xi32, #tpu.memory_space<hbm>>
        %dma_start3A_25 = tpu.memref_slice %arg4[%add3A_19] : memref<323584xi32, #tpu.memory_space<hbm>> -> memref<128xi32, #tpu.memory_space<hbm>>
        tpu.enqueue_dma source(%dma_start3A_25 : memref<128xi32, #tpu.memory_space<hbm>>) target(%arg11 : memref<128xi32, #tpu.memory_space<vmem>>) target_semaphore(%run_scoped3A : memref<!tpu.dma_semaphore, #tpu.memory_space<semaphore_mem>>)
        %dma_wait3A_26 = tpu.memref_slice %arg4[%add3A_19] : memref<323584xi32, #tpu.memory_space<hbm>> -> memref<128xi32, #tpu.memory_space<hbm>>
        %dma_wait3A_27 = tpu.memref_slice %arg4[%add3A_19] : memref<323584xi32, #tpu.memory_space<hbm>> -> memref<128xi32, #tpu.memory_space<hbm>>
        tpu.wait_dma2 semaphore(%run_scoped3A : memref<!tpu.dma_semaphore, #tpu.memory_space<semaphore_mem>>) src(%dma_wait3A_27 : memref<128xi32, #tpu.memory_space<hbm>>) dst(%arg11 : memref<128xi32, #tpu.memory_space<vmem>>)
        tpu.yield
      }) : () -> ()
      %dma_start3A = arith.constant 0 : i32
      %dma_start3A_20 = arith.constant 0 : i32
      %dma_start3A_21 = tpu.memref_slice %arg2[%dma_start3A, %dma_start3A_20] : memref<10000x128xf32, #tpu.memory_space<hbm>> -> memref<10000x128xf32, #tpu.memory_space<hbm>>
      tpu.enqueue_indirect_dma source(%dma_start3A_21 : memref<10000x128xf32, #tpu.memory_space<hbm>>) target(%arg12 : memref<128x128xf32, #tpu.memory_space<vmem>>) offsets(%arg10 : memref<128xi32, #tpu.memory_space<vmem>>) semaphore(%arg13 : memref<!tpu.dma_semaphore, #tpu.memory_space<semaphore_mem>>)
      %dma_wait3A = arith.constant 0 : i32
      %dma_wait3A_22 = arith.constant 0 : i32
      %dma_wait3A_23 = tpu.memref_slice %arg2[%dma_wait3A, %dma_wait3A_22] : memref<10000x128xf32, #tpu.memory_space<hbm>> -> memref<10000x128xf32, #tpu.memory_space<hbm>>
      tpu.wait_indirect_dma semaphore(%arg13 : memref<!tpu.dma_semaphore, #tpu.memory_space<semaphore_mem>>) src(%dma_wait3A_23 : memref<10000x128xf32, #tpu.memory_space<hbm>>) dst(%arg12 : memref<128x128xf32, #tpu.memory_space<vmem>>)
      "tpu.region"() ({
        %run_scoped3A = tpu.sem_alloc : memref<!tpu.dma_semaphore, #tpu.memory_space<semaphore_mem>>
        %dma_start3A_24 = arith.constant 0 : i32
        %dma_start3A_25 = arith.constant 0 : i32
        %dma_start3A_26 = tpu.memref_slice %arg9[%dma_start3A_24, %dma_start3A_25] : memref<10240x128xf32, #tpu.memory_space<vmem_shared>> -> memref<10240x128xf32, #tpu.memory_space<vmem_shared>>
        tpu.enqueue_indirect_dma source(%arg12 : memref<128x128xf32, #tpu.memory_space<vmem>>) target(%dma_start3A_26 : memref<10240x128xf32, #tpu.memory_space<vmem_shared>>) offsets(%arg11 : memref<128xi32, #tpu.memory_space<vmem>>) semaphore(%run_scoped3A : memref<!tpu.dma_semaphore, #tpu.memory_space<semaphore_mem>>) {add = true}
        %dma_wait3A_27 = arith.constant 0 : i32
        %dma_wait3A_28 = arith.constant 0 : i32
        %dma_wait3A_29 = tpu.memref_slice %arg9[%dma_wait3A_27, %dma_wait3A_28] : memref<10240x128xf32, #tpu.memory_space<vmem_shared>> -> memref<10240x128xf32, #tpu.memory_space<vmem_shared>>
        tpu.wait_indirect_dma semaphore(%run_scoped3A : memref<!tpu.dma_semaphore, #tpu.memory_space<semaphore_mem>>) src(%arg12 : memref<128x128xf32, #tpu.memory_space<vmem>>) dst(%dma_wait3A_29 : memref<10240x128xf32, #tpu.memory_space<vmem_shared>>)
        tpu.yield
      }) : () -> ()
    }
    %scan3A_10 = arith.constant 79 : i32
    %barrier3A_11 = arith.constant 0 : index
    tpu.barrier barrier_id(%barrier3A_11)
    %mul3A_12 = arith.constant 640 : i32
    %mul3A_13 = arith.muli %arg1, %mul3A_12 : i32
    %mul3A_14 = arith.constant 640 : i32
    %mul3A_15 = arith.muli %arg1, %mul3A_14 : i32
    "tpu.region"() ({
      %run_scoped3A = tpu.sem_alloc : memref<!tpu.dma_semaphore, #tpu.memory_space<semaphore_mem>>
      %dma_start3A = arith.constant 0 : i32
      %dma_start3A_16 = tpu.memref_slice %arg8[%arg0, %mul3A_15, %dma_start3A] : memref<2x10240x128xf32, #tpu.memory_space<hbm>> -> memref<1x640x128xf32, #tpu.memory_space<hbm>>
      %dma_start3A_17 = tpu.memref_squeeze %dma_start3A_16 : memref<1x640x128xf32, #tpu.memory_space<hbm>> -> memref<640x128xf32, #tpu.memory_space<hbm>>
      %dma_start3A_18 = arith.constant 0 : i32
      %dma_start3A_19 = tpu.memref_slice %arg9[%mul3A_13, %dma_start3A_18] : memref<10240x128xf32, #tpu.memory_space<vmem_shared>> -> memref<640x128xf32, #tpu.memory_space<vmem_shared>>
      tpu.enqueue_dma source(%dma_start3A_19 : memref<640x128xf32, #tpu.memory_space<vmem_shared>>) target(%dma_start3A_17 : memref<640x128xf32, #tpu.memory_space<hbm>>) target_semaphore(%run_scoped3A : memref<!tpu.dma_semaphore, #tpu.memory_space<semaphore_mem>>)
      %dma_wait3A = arith.constant 0 : i32
      %dma_wait3A_20 = tpu.memref_slice %arg8[%arg0, %mul3A_15, %dma_wait3A] : memref<2x10240x128xf32, #tpu.memory_space<hbm>> -> memref<1x640x128xf32, #tpu.memory_space<hbm>>
      %dma_wait3A_21 = tpu.memref_squeeze %dma_wait3A_20 : memref<1x640x128xf32, #tpu.memory_space<hbm>> -> memref<640x128xf32, #tpu.memory_space<hbm>>
      %dma_wait3A_22 = arith.constant 0 : i32
      %dma_wait3A_23 = tpu.memref_slice %arg9[%mul3A_13, %dma_wait3A_22] : memref<10240x128xf32, #tpu.memory_space<vmem_shared>> -> memref<640x128xf32, #tpu.memory_space<vmem_shared>>
      tpu.wait_dma2 semaphore(%run_scoped3A : memref<!tpu.dma_semaphore, #tpu.memory_space<semaphore_mem>>) src(%dma_wait3A_23 : memref<640x128xf32, #tpu.memory_space<vmem_shared>>) dst(%dma_wait3A_21 : memref<640x128xf32, #tpu.memory_space<hbm>>)
      tpu.yield
    }) : () -> ()
    return
  }
}

module attributes {stable_mosaic.version = 14 : i64} {
  func.func @body(%arg0: i32, %arg1: memref<2048x128xf32, #tpu.memory_space<vmem>>, %arg2: memref<2x2048x128xf32, #tpu.memory_space<vmem>>, %arg3: memref<32x2048xf32, #tpu.memory_space<vmem>>, %arg4: memref<32x2048xf32, #tpu.memory_space<vmem>>, %arg5: memref<128x256xbf16, #tpu.memory_space<vmem>>, %arg6: memref<128x256xf32, #tpu.memory_space<vmem>>, %arg7: memref<1x256xf32, #tpu.memory_space<vmem>>, %arg8: memref<1x256xf32, #tpu.memory_space<vmem>>, %arg9: memref<256x384xbf16, #tpu.memory_space<vmem>>, %arg10: memref<128x384xbf16, #tpu.memory_space<vmem>>, %arg11: memref<1x384xf32, #tpu.memory_space<vmem>>, %arg12: memref<1x384xf32, #tpu.memory_space<vmem>>, %arg13: memref<2048x128xf32, #tpu.memory_space<vmem>>) attributes {dimension_semantics = [#tpu.dimension_semantics<arbitrary>], iteration_bounds = array<i64: 5>, scalar_prefetch = 0 : i64, scratch_operands = 0 : i64, tpu.core_type = #tpu.core_type<tc>, window_params = [{transform_indices = @transform_0, window_bounds = array<i64: 2048, 128>}, {transform_indices = @transform_1, window_bounds = array<i64: 2, 2048, 128>}, {transform_indices = @transform_2, window_bounds = array<i64: 32, 2048>}, {transform_indices = @transform_3, window_bounds = array<i64: 32, 2048>}, {pipeline_mode = #tpu.pipeline_mode<synchronous>, transform_indices = @transform_4, window_bounds = array<i64: 128, 256>}, {pipeline_mode = #tpu.pipeline_mode<synchronous>, transform_indices = @transform_5, window_bounds = array<i64: 128, 256>}, {pipeline_mode = #tpu.pipeline_mode<synchronous>, transform_indices = @transform_6, window_bounds = array<i64: 1, 256>}, {pipeline_mode = #tpu.pipeline_mode<synchronous>, transform_indices = @transform_7, window_bounds = array<i64: 1, 256>}, {pipeline_mode = #tpu.pipeline_mode<synchronous>, transform_indices = @transform_8, window_bounds = array<i64: 256, 384>}, {pipeline_mode = #tpu.pipeline_mode<synchronous>, transform_indices = @transform_9, window_bounds = array<i64: 128, 384>}, {pipeline_mode = #tpu.pipeline_mode<synchronous>, transform_indices = @transform_10, window_bounds = array<i64: 1, 384>}, {pipeline_mode = #tpu.pipeline_mode<synchronous>, transform_indices = @transform_11, window_bounds = array<i64: 1, 384>}, {transform_indices = @transform_12, window_bounds = array<i64: 2048, 128>}]} {
    %get3A = arith.constant 0 : index
    %get3A_0 = arith.constant 0 : index
    %get3A_1 = vector.load %arg1[%get3A, %get3A_0] : memref<2048x128xf32, #tpu.memory_space<vmem>>, vector<2048x128xf32>
    %convert_element_type3A = arith.truncf %get3A_1 : vector<2048x128xf32> to vector<2048x128xbf16>
    %get3A_2 = arith.constant 0 : index
    %get3A_3 = arith.constant 0 : index
    %get3A_4 = arith.constant 0 : index
    %get3A_5 = vector.load %arg2[%get3A_2, %get3A_3, %get3A_4] : memref<2x2048x128xf32, #tpu.memory_space<vmem>>, vector<2x2048x128xf32>
    %slice3A = vector.extract_strided_slice %get3A_5 {offsets = [0, 0, 0], sizes = [1, 2048, 128], strides = [1, 1, 1]} : vector<2x2048x128xf32> to vector<1x2048x128xf32>
    %squeeze3A = vector.shape_cast %slice3A : vector<1x2048x128xf32> to vector<2048x128xf32>
    %slice3A_6 = vector.extract_strided_slice %get3A_5 {offsets = [1, 0, 0], sizes = [1, 2048, 128], strides = [1, 1, 1]} : vector<2x2048x128xf32> to vector<1x2048x128xf32>
    %squeeze3A_7 = vector.shape_cast %slice3A_6 : vector<1x2048x128xf32> to vector<2048x128xf32>
    %add3A = arith.addf %squeeze3A, %squeeze3A_7 : vector<2048x128xf32>
    %broadcast_in_dim3A = arith.constant 1.000000e+00 : f32
    %broadcast_in_dim3A_8 = vector.broadcast %broadcast_in_dim3A : f32 to vector<32x1xf32>
    %get3A_9 = arith.constant 0 : index
    %get3A_10 = arith.constant 0 : index
    %get3A_11 = vector.load %arg3[%get3A_9, %get3A_10] : memref<32x2048xf32, #tpu.memory_space<vmem>>, vector<32x2048xf32>
    %dot_general3A = arith.constant dense<0.000000e+00> : vector<2048x1xf32>
    %dot_general3A_12 = tpu.matmul %get3A_11, %broadcast_in_dim3A_8, %dot_general3A {dimension_numbers = #tpu.dot_dimension_numbers<[0], [0], [1], [1], [0, 1, 1, 1], [], []>, precision = #tpu.contract_precision<fp32>, transpose_lhs_hint = false} : vector<32x2048xf32>, vector<32x1xf32>, vector<2048x1xf32> -> vector<2048x1xf32>
    %get3A_13 = arith.constant 0 : index
    %get3A_14 = arith.constant 0 : index
    %get3A_15 = vector.load %arg4[%get3A_13, %get3A_14] : memref<32x2048xf32, #tpu.memory_space<vmem>>, vector<32x2048xf32>
    %dot_general3A_16 = arith.constant dense<0.000000e+00> : vector<2048x1xf32>
    %dot_general3A_17 = tpu.matmul %get3A_15, %broadcast_in_dim3A_8, %dot_general3A_16 {dimension_numbers = #tpu.dot_dimension_numbers<[0], [0], [1], [1], [0, 1, 1, 1], [], []>, precision = #tpu.contract_precision<fp32>, transpose_lhs_hint = false} : vector<32x2048xf32>, vector<32x1xf32>, vector<2048x1xf32> -> vector<2048x1xf32>
    %get3A_18 = arith.constant 0 : index
    %get3A_19 = arith.constant 0 : index
    %get3A_20 = vector.load %arg5[%get3A_18, %get3A_19] : memref<128x256xbf16, #tpu.memory_space<vmem>>, vector<128x256xbf16>
    %dot_general3A_21 = arith.constant dense<0.000000e+00> : vector<2048x256xf32>
    %dot_general3A_22 = tpu.matmul %convert_element_type3A, %get3A_20, %dot_general3A_21 {dimension_numbers = #tpu.dot_dimension_numbers<[1], [0], [0], [1], [0, 0, 1, 1], [], []>, transpose_lhs_hint = false} : vector<2048x128xbf16>, vector<128x256xbf16>, vector<2048x256xf32> -> vector<2048x256xf32>
    %mul3A = vector.broadcast %dot_general3A_12 : vector<2048x1xf32> to vector<2048x256xf32>
    %mul3A_23 = arith.mulf %dot_general3A_22, %mul3A : vector<2048x256xf32>
    %get3A_24 = arith.constant 0 : index
    %get3A_25 = arith.constant 0 : index
    %get3A_26 = vector.load %arg6[%get3A_24, %get3A_25] : memref<128x256xf32, #tpu.memory_space<vmem>>, vector<128x256xf32>
    %dot_general3A_27 = arith.constant dense<0.000000e+00> : vector<2048x256xf32>
    %dot_general3A_28 = tpu.matmul %add3A, %get3A_26, %dot_general3A_27 {dimension_numbers = #tpu.dot_dimension_numbers<[1], [0], [0], [1], [0, 0, 1, 1], [], []>, precision = #tpu.contract_precision<fp32>, transpose_lhs_hint = false} : vector<2048x128xf32>, vector<128x256xf32>, vector<2048x256xf32> -> vector<2048x256xf32>
    %add3A_29 = arith.addf %mul3A_23, %dot_general3A_28 : vector<2048x256xf32>
    %get3A_30 = arith.constant 0 : index
    %get3A_31 = arith.constant 0 : index
    %get3A_32 = vector.load %arg7[%get3A_30, %get3A_31] : memref<1x256xf32, #tpu.memory_space<vmem>>, vector<1x256xf32>
    %mul3A_33 = vector.broadcast %dot_general3A_17 : vector<2048x1xf32> to vector<2048x256xf32>
    %mul3A_34 = vector.broadcast %get3A_32 : vector<1x256xf32> to vector<2048x256xf32>
    %mul3A_35 = arith.mulf %mul3A_33, %mul3A_34 : vector<2048x256xf32>
    %add3A_36 = arith.addf %add3A_29, %mul3A_35 : vector<2048x256xf32>
    %get3A_37 = arith.constant 0 : index
    %get3A_38 = arith.constant 0 : index
    %get3A_39 = vector.load %arg8[%get3A_37, %get3A_38] : memref<1x256xf32, #tpu.memory_space<vmem>>, vector<1x256xf32>
    %mul3A_40 = vector.broadcast %dot_general3A_12 : vector<2048x1xf32> to vector<2048x256xf32>
    %mul3A_41 = vector.broadcast %get3A_39 : vector<1x256xf32> to vector<2048x256xf32>
    %mul3A_42 = arith.mulf %mul3A_40, %mul3A_41 : vector<2048x256xf32>
    %add3A_43 = arith.addf %add3A_36, %mul3A_42 : vector<2048x256xf32>
    %convert_element_type3A_44 = arith.truncf %add3A_43 : vector<2048x256xf32> to vector<2048x256xbf16>
    %get3A_45 = arith.constant 0 : index
    %get3A_46 = arith.constant 0 : index
    %get3A_47 = vector.load %arg9[%get3A_45, %get3A_46] : memref<256x384xbf16, #tpu.memory_space<vmem>>, vector<256x384xbf16>
    %dot_general3A_48 = arith.constant dense<0.000000e+00> : vector<2048x384xf32>
    %dot_general3A_49 = tpu.matmul %convert_element_type3A_44, %get3A_47, %dot_general3A_48 {dimension_numbers = #tpu.dot_dimension_numbers<[1], [0], [0], [1], [0, 0, 1, 1], [], []>, transpose_lhs_hint = false} : vector<2048x256xbf16>, vector<256x384xbf16>, vector<2048x384xf32> -> vector<2048x384xf32>
    %get3A_50 = arith.constant 0 : index
    %get3A_51 = arith.constant 0 : index
    %get3A_52 = vector.load %arg11[%get3A_50, %get3A_51] : memref<1x384xf32, #tpu.memory_space<vmem>>, vector<1x384xf32>
    %add3A_53 = vector.broadcast %get3A_52 : vector<1x384xf32> to vector<2048x384xf32>
    %add3A_54 = arith.addf %dot_general3A_49, %add3A_53 : vector<2048x384xf32>
    %get3A_55 = arith.constant 0 : index
    %get3A_56 = arith.constant 0 : index
    %get3A_57 = vector.load %arg10[%get3A_55, %get3A_56] : memref<128x384xbf16, #tpu.memory_space<vmem>>, vector<128x384xbf16>
    %dot_general3A_58 = arith.constant dense<0.000000e+00> : vector<2048x384xf32>
    %dot_general3A_59 = tpu.matmul %convert_element_type3A, %get3A_57, %dot_general3A_58 {dimension_numbers = #tpu.dot_dimension_numbers<[1], [0], [0], [1], [0, 0, 1, 1], [], []>, transpose_lhs_hint = false} : vector<2048x128xbf16>, vector<128x384xbf16>, vector<2048x384xf32> -> vector<2048x384xf32>
    %get3A_60 = arith.constant 0 : index
    %get3A_61 = arith.constant 0 : index
    %get3A_62 = vector.load %arg12[%get3A_60, %get3A_61] : memref<1x384xf32, #tpu.memory_space<vmem>>, vector<1x384xf32>
    %add3A_63 = vector.broadcast %get3A_62 : vector<1x384xf32> to vector<2048x384xf32>
    %add3A_64 = arith.addf %dot_general3A_59, %add3A_63 : vector<2048x384xf32>
    %slice3A_65 = vector.extract_strided_slice %add3A_54 {offsets = [0, 0], sizes = [2048, 128], strides = [1, 1]} : vector<2048x384xf32> to vector<2048x128xf32>
    %slice3A_66 = vector.extract_strided_slice %add3A_64 {offsets = [0, 0], sizes = [2048, 128], strides = [1, 1]} : vector<2048x384xf32> to vector<2048x128xf32>
    %add3A_67 = arith.addf %slice3A_65, %slice3A_66 : vector<2048x128xf32>
    %logistic3A = arith.negf %add3A_67 : vector<2048x128xf32>
    %logistic3A_68 = math.exp %logistic3A : vector<2048x128xf32>
    %logistic3A_69 = arith.constant 1.000000e+00 : f32
    %logistic3A_70 = vector.broadcast %logistic3A_69 : f32 to vector<2048x128xf32>
    %logistic3A_71 = arith.addf %logistic3A_70, %logistic3A_68 : vector<2048x128xf32>
    %logistic3A_72 = arith.divf %logistic3A_70, %logistic3A_71 : vector<2048x128xf32>
    %slice3A_73 = vector.extract_strided_slice %add3A_54 {offsets = [0, 128], sizes = [2048, 128], strides = [1, 1]} : vector<2048x384xf32> to vector<2048x128xf32>
    %slice3A_74 = vector.extract_strided_slice %add3A_64 {offsets = [0, 128], sizes = [2048, 128], strides = [1, 1]} : vector<2048x384xf32> to vector<2048x128xf32>
    %add3A_75 = arith.addf %slice3A_73, %slice3A_74 : vector<2048x128xf32>
    %logistic3A_76 = arith.negf %add3A_75 : vector<2048x128xf32>
    %logistic3A_77 = math.exp %logistic3A_76 : vector<2048x128xf32>
    %logistic3A_78 = arith.constant 1.000000e+00 : f32
    %logistic3A_79 = vector.broadcast %logistic3A_78 : f32 to vector<2048x128xf32>
    %logistic3A_80 = arith.addf %logistic3A_79, %logistic3A_77 : vector<2048x128xf32>
    %logistic3A_81 = arith.divf %logistic3A_79, %logistic3A_80 : vector<2048x128xf32>
    %slice3A_82 = vector.extract_strided_slice %add3A_54 {offsets = [0, 256], sizes = [2048, 128], strides = [1, 1]} : vector<2048x384xf32> to vector<2048x128xf32>
    %slice3A_83 = vector.extract_strided_slice %add3A_64 {offsets = [0, 256], sizes = [2048, 128], strides = [1, 1]} : vector<2048x384xf32> to vector<2048x128xf32>
    %mul3A_84 = arith.mulf %logistic3A_72, %slice3A_83 : vector<2048x128xf32>
    %add3A_85 = arith.addf %slice3A_82, %mul3A_84 : vector<2048x128xf32>
    %tanh3A = math.tanh %add3A_85 : vector<2048x128xf32>
    %sub3A = arith.constant 1.000000e+00 : f32
    %sub3A_86 = vector.broadcast %sub3A : f32 to vector<2048x128xf32>
    %sub3A_87 = arith.subf %sub3A_86, %logistic3A_81 : vector<2048x128xf32>
    %mul3A_88 = arith.mulf %sub3A_87, %tanh3A : vector<2048x128xf32>
    %mul3A_89 = arith.mulf %logistic3A_81, %get3A_1 : vector<2048x128xf32>
    %add3A_90 = arith.addf %mul3A_88, %mul3A_89 : vector<2048x128xf32>
    %swap3A = arith.constant 0 : index
    %swap3A_91 = arith.constant 0 : index
    %swap3A_92 = vector.load %arg13[%swap3A, %swap3A_91] : memref<2048x128xf32, #tpu.memory_space<vmem>>, vector<2048x128xf32>
    tpu.vector_store %arg13[%swap3A, %swap3A_91], %add3A_90 {strides = array<i32>} : memref<2048x128xf32, #tpu.memory_space<vmem>>, vector<2048x128xf32>,
    return
  }
  func.func @transform_0(%arg0: i32) -> (i32, i32) {
    %c0_i32 = arith.constant 0 : i32
    %c0_i32_0 = arith.constant 0 : i32
    return %arg0, %c0_i32 : i32, i32
  }
  func.func @transform_1(%arg0: i32) -> (i32, i32, i32) {
    %c0_i32 = arith.constant 0 : i32
    %c0_i32_0 = arith.constant 0 : i32
    %c0_i32_1 = arith.constant 0 : i32
    return %c0_i32, %arg0, %c0_i32_0 : i32, i32, i32
  }
  func.func @transform_2(%arg0: i32) -> (i32, i32) {
    %c0_i32 = arith.constant 0 : i32
    %c0_i32_0 = arith.constant 0 : i32
    return %c0_i32, %arg0 : i32, i32
  }
  func.func @transform_3(%arg0: i32) -> (i32, i32) {
    %c0_i32 = arith.constant 0 : i32
    %c0_i32_0 = arith.constant 0 : i32
    return %c0_i32, %arg0 : i32, i32
  }
  func.func @transform_4(%arg0: i32) -> (i32, i32) {
    %c0_i32 = arith.constant 0 : i32
    %c0_i32_0 = arith.constant 0 : i32
    %c0_i32_1 = arith.constant 0 : i32
    return %c0_i32, %c0_i32_0 : i32, i32
  }
  func.func @transform_5(%arg0: i32) -> (i32, i32) {
    %c0_i32 = arith.constant 0 : i32
    %c0_i32_0 = arith.constant 0 : i32
    %c0_i32_1 = arith.constant 0 : i32
    return %c0_i32, %c0_i32_0 : i32, i32
  }
  func.func @transform_6(%arg0: i32) -> (i32, i32) {
    %c0_i32 = arith.constant 0 : i32
    %c0_i32_0 = arith.constant 0 : i32
    %c0_i32_1 = arith.constant 0 : i32
    return %c0_i32, %c0_i32_0 : i32, i32
  }
  func.func @transform_7(%arg0: i32) -> (i32, i32) {
    %c0_i32 = arith.constant 0 : i32
    %c0_i32_0 = arith.constant 0 : i32
    %c0_i32_1 = arith.constant 0 : i32
    return %c0_i32, %c0_i32_0 : i32, i32
  }
  func.func @transform_8(%arg0: i32) -> (i32, i32) {
    %c0_i32 = arith.constant 0 : i32
    %c0_i32_0 = arith.constant 0 : i32
    %c0_i32_1 = arith.constant 0 : i32
    return %c0_i32, %c0_i32_0 : i32, i32
  }
  func.func @transform_9(%arg0: i32) -> (i32, i32) {
    %c0_i32 = arith.constant 0 : i32
    %c0_i32_0 = arith.constant 0 : i32
    %c0_i32_1 = arith.constant 0 : i32
    return %c0_i32, %c0_i32_0 : i32, i32
  }
  func.func @transform_10(%arg0: i32) -> (i32, i32) {
    %c0_i32 = arith.constant 0 : i32
    %c0_i32_0 = arith.constant 0 : i32
    %c0_i32_1 = arith.constant 0 : i32
    return %c0_i32, %c0_i32_0 : i32, i32
  }
  func.func @transform_11(%arg0: i32) -> (i32, i32) {
    %c0_i32 = arith.constant 0 : i32
    %c0_i32_0 = arith.constant 0 : i32
    %c0_i32_1 = arith.constant 0 : i32
    return %c0_i32, %c0_i32_0 : i32, i32
  }
  func.func @transform_12(%arg0: i32) -> (i32, i32) {
    %c0_i32 = arith.constant 0 : i32
    %c0_i32_0 = arith.constant 0 : i32
    return %arg0, %c0_i32 : i32, i32
  }
}

module attributes {stable_mosaic.version = 14 : i64} {
  func.func @body(%arg0: i32, %arg1: memref<2048x128xf32, #tpu.memory_space<vmem>>, %arg2: memref<2x2048x128xf32, #tpu.memory_space<vmem>>, %arg3: memref<32x2048xf32, #tpu.memory_space<vmem>>, %arg4: memref<32x2048xf32, #tpu.memory_space<vmem>>, %arg5: memref<128x256xbf16, #tpu.memory_space<vmem>>, %arg6: memref<128x256xf32, #tpu.memory_space<vmem>>, %arg7: memref<1x256xf32, #tpu.memory_space<vmem>>, %arg8: memref<1x256xf32, #tpu.memory_space<vmem>>, %arg9: memref<256x384xbf16, #tpu.memory_space<vmem>>, %arg10: memref<128x384xbf16, #tpu.memory_space<vmem>>, %arg11: memref<1x384xf32, #tpu.memory_space<vmem>>, %arg12: memref<1x384xf32, #tpu.memory_space<vmem>>, %arg13: memref<2048x128xf32, #tpu.memory_space<vmem>>) attributes {dimension_semantics = [#tpu.dimension_semantics<arbitrary>], iteration_bounds = array<i64: 5>, scalar_prefetch = 0 : i64, scratch_operands = 0 : i64, tpu.core_type = #tpu.core_type<tc>, window_params = [{transform_indices = @transform_0, window_bounds = array<i64: 2048, 128>}, {transform_indices = @transform_1, window_bounds = array<i64: 2, 2048, 128>}, {transform_indices = @transform_2, window_bounds = array<i64: 32, 2048>}, {transform_indices = @transform_3, window_bounds = array<i64: 32, 2048>}, {pipeline_mode = #tpu.pipeline_mode<synchronous>, transform_indices = @transform_4, window_bounds = array<i64: 128, 256>}, {pipeline_mode = #tpu.pipeline_mode<synchronous>, transform_indices = @transform_5, window_bounds = array<i64: 128, 256>}, {pipeline_mode = #tpu.pipeline_mode<synchronous>, transform_indices = @transform_6, window_bounds = array<i64: 1, 256>}, {pipeline_mode = #tpu.pipeline_mode<synchronous>, transform_indices = @transform_7, window_bounds = array<i64: 1, 256>}, {pipeline_mode = #tpu.pipeline_mode<synchronous>, transform_indices = @transform_8, window_bounds = array<i64: 256, 384>}, {pipeline_mode = #tpu.pipeline_mode<synchronous>, transform_indices = @transform_9, window_bounds = array<i64: 128, 384>}, {pipeline_mode = #tpu.pipeline_mode<synchronous>, transform_indices = @transform_10, window_bounds = array<i64: 1, 384>}, {pipeline_mode = #tpu.pipeline_mode<synchronous>, transform_indices = @transform_11, window_bounds = array<i64: 1, 384>}, {transform_indices = @transform_12, window_bounds = array<i64: 2048, 128>}]} {
    %get3A = arith.constant 0 : index
    %get3A_0 = arith.constant 0 : index
    %get3A_1 = vector.load %arg1[%get3A, %get3A_0] : memref<2048x128xf32, #tpu.memory_space<vmem>>, vector<2048x128xf32>
    %convert_element_type3A = arith.truncf %get3A_1 : vector<2048x128xf32> to vector<2048x128xbf16>
    %get3A_2 = arith.constant 0 : index
    %get3A_3 = arith.constant 0 : index
    %get3A_4 = arith.constant 0 : index
    %get3A_5 = vector.load %arg2[%get3A_2, %get3A_3, %get3A_4] : memref<2x2048x128xf32, #tpu.memory_space<vmem>>, vector<2x2048x128xf32>
    %slice3A = vector.extract_strided_slice %get3A_5 {offsets = [0, 0, 0], sizes = [1, 2048, 128], strides = [1, 1, 1]} : vector<2x2048x128xf32> to vector<1x2048x128xf32>
    %squeeze3A = vector.shape_cast %slice3A : vector<1x2048x128xf32> to vector<2048x128xf32>
    %slice3A_6 = vector.extract_strided_slice %get3A_5 {offsets = [1, 0, 0], sizes = [1, 2048, 128], strides = [1, 1, 1]} : vector<2x2048x128xf32> to vector<1x2048x128xf32>
    %squeeze3A_7 = vector.shape_cast %slice3A_6 : vector<1x2048x128xf32> to vector<2048x128xf32>
    %add3A = arith.addf %squeeze3A, %squeeze3A_7 : vector<2048x128xf32>
    %broadcast_in_dim3A = arith.constant 1.000000e+00 : f32
    %broadcast_in_dim3A_8 = vector.broadcast %broadcast_in_dim3A : f32 to vector<32x1xf32>
    %get3A_9 = arith.constant 0 : index
    %get3A_10 = arith.constant 0 : index
    %get3A_11 = vector.load %arg3[%get3A_9, %get3A_10] : memref<32x2048xf32, #tpu.memory_space<vmem>>, vector<32x2048xf32>
    %dot_general3A = arith.constant dense<0.000000e+00> : vector<2048x1xf32>
    %dot_general3A_12 = tpu.matmul %get3A_11, %broadcast_in_dim3A_8, %dot_general3A {dimension_numbers = #tpu.dot_dimension_numbers<[0], [0], [1], [1], [0, 1, 1, 1], [], []>, precision = #tpu.contract_precision<fp32>, transpose_lhs_hint = false} : vector<32x2048xf32>, vector<32x1xf32>, vector<2048x1xf32> -> vector<2048x1xf32>
    %get3A_13 = arith.constant 0 : index
    %get3A_14 = arith.constant 0 : index
    %get3A_15 = vector.load %arg4[%get3A_13, %get3A_14] : memref<32x2048xf32, #tpu.memory_space<vmem>>, vector<32x2048xf32>
    %dot_general3A_16 = arith.constant dense<0.000000e+00> : vector<2048x1xf32>
    %dot_general3A_17 = tpu.matmul %get3A_15, %broadcast_in_dim3A_8, %dot_general3A_16 {dimension_numbers = #tpu.dot_dimension_numbers<[0], [0], [1], [1], [0, 1, 1, 1], [], []>, precision = #tpu.contract_precision<fp32>, transpose_lhs_hint = false} : vector<32x2048xf32>, vector<32x1xf32>, vector<2048x1xf32> -> vector<2048x1xf32>
    %get3A_18 = arith.constant 0 : index
    %get3A_19 = arith.constant 0 : index
    %get3A_20 = vector.load %arg5[%get3A_18, %get3A_19] : memref<128x256xbf16, #tpu.memory_space<vmem>>, vector<128x256xbf16>
    %dot_general3A_21 = arith.constant dense<0.000000e+00> : vector<2048x256xf32>
    %dot_general3A_22 = tpu.matmul %convert_element_type3A, %get3A_20, %dot_general3A_21 {dimension_numbers = #tpu.dot_dimension_numbers<[1], [0], [0], [1], [0, 0, 1, 1], [], []>, transpose_lhs_hint = false} : vector<2048x128xbf16>, vector<128x256xbf16>, vector<2048x256xf32> -> vector<2048x256xf32>
    %mul3A = vector.broadcast %dot_general3A_12 : vector<2048x1xf32> to vector<2048x256xf32>
    %mul3A_23 = arith.mulf %dot_general3A_22, %mul3A : vector<2048x256xf32>
    %get3A_24 = arith.constant 0 : index
    %get3A_25 = arith.constant 0 : index
    %get3A_26 = vector.load %arg6[%get3A_24, %get3A_25] : memref<128x256xf32, #tpu.memory_space<vmem>>, vector<128x256xf32>
    %dot_general3A_27 = arith.constant dense<0.000000e+00> : vector<2048x256xf32>
    %dot_general3A_28 = tpu.matmul %add3A, %get3A_26, %dot_general3A_27 {dimension_numbers = #tpu.dot_dimension_numbers<[1], [0], [0], [1], [0, 0, 1, 1], [], []>, precision = #tpu.contract_precision<fp32>, transpose_lhs_hint = false} : vector<2048x128xf32>, vector<128x256xf32>, vector<2048x256xf32> -> vector<2048x256xf32>
    %add3A_29 = arith.addf %mul3A_23, %dot_general3A_28 : vector<2048x256xf32>
    %get3A_30 = arith.constant 0 : index
    %get3A_31 = arith.constant 0 : index
    %get3A_32 = vector.load %arg7[%get3A_30, %get3A_31] : memref<1x256xf32, #tpu.memory_space<vmem>>, vector<1x256xf32>
    %mul3A_33 = vector.broadcast %dot_general3A_17 : vector<2048x1xf32> to vector<2048x256xf32>
    %mul3A_34 = vector.broadcast %get3A_32 : vector<1x256xf32> to vector<2048x256xf32>
    %mul3A_35 = arith.mulf %mul3A_33, %mul3A_34 : vector<2048x256xf32>
    %add3A_36 = arith.addf %add3A_29, %mul3A_35 : vector<2048x256xf32>
    %get3A_37 = arith.constant 0 : index
    %get3A_38 = arith.constant 0 : index
    %get3A_39 = vector.load %arg8[%get3A_37, %get3A_38] : memref<1x256xf32, #tpu.memory_space<vmem>>, vector<1x256xf32>
    %mul3A_40 = vector.broadcast %dot_general3A_12 : vector<2048x1xf32> to vector<2048x256xf32>
    %mul3A_41 = vector.broadcast %get3A_39 : vector<1x256xf32> to vector<2048x256xf32>
    %mul3A_42 = arith.mulf %mul3A_40, %mul3A_41 : vector<2048x256xf32>
    %add3A_43 = arith.addf %add3A_36, %mul3A_42 : vector<2048x256xf32>
    %convert_element_type3A_44 = arith.truncf %add3A_43 : vector<2048x256xf32> to vector<2048x256xbf16>
    %get3A_45 = arith.constant 0 : index
    %get3A_46 = arith.constant 0 : index
    %get3A_47 = vector.load %arg9[%get3A_45, %get3A_46] : memref<256x384xbf16, #tpu.memory_space<vmem>>, vector<256x384xbf16>
    %dot_general3A_48 = arith.constant dense<0.000000e+00> : vector<2048x384xf32>
    %dot_general3A_49 = tpu.matmul %convert_element_type3A_44, %get3A_47, %dot_general3A_48 {dimension_numbers = #tpu.dot_dimension_numbers<[1], [0], [0], [1], [0, 0, 1, 1], [], []>, transpose_lhs_hint = false} : vector<2048x256xbf16>, vector<256x384xbf16>, vector<2048x384xf32> -> vector<2048x384xf32>
    %get3A_50 = arith.constant 0 : index
    %get3A_51 = arith.constant 0 : index
    %get3A_52 = vector.load %arg11[%get3A_50, %get3A_51] : memref<1x384xf32, #tpu.memory_space<vmem>>, vector<1x384xf32>
    %add3A_53 = vector.broadcast %get3A_52 : vector<1x384xf32> to vector<2048x384xf32>
    %add3A_54 = arith.addf %dot_general3A_49, %add3A_53 : vector<2048x384xf32>
    %get3A_55 = arith.constant 0 : index
    %get3A_56 = arith.constant 0 : index
    %get3A_57 = vector.load %arg10[%get3A_55, %get3A_56] : memref<128x384xbf16, #tpu.memory_space<vmem>>, vector<128x384xbf16>
    %dot_general3A_58 = arith.constant dense<0.000000e+00> : vector<2048x384xf32>
    %dot_general3A_59 = tpu.matmul %convert_element_type3A, %get3A_57, %dot_general3A_58 {dimension_numbers = #tpu.dot_dimension_numbers<[1], [0], [0], [1], [0, 0, 1, 1], [], []>, transpose_lhs_hint = false} : vector<2048x128xbf16>, vector<128x384xbf16>, vector<2048x384xf32> -> vector<2048x384xf32>
    %get3A_60 = arith.constant 0 : index
    %get3A_61 = arith.constant 0 : index
    %get3A_62 = vector.load %arg12[%get3A_60, %get3A_61] : memref<1x384xf32, #tpu.memory_space<vmem>>, vector<1x384xf32>
    %add3A_63 = vector.broadcast %get3A_62 : vector<1x384xf32> to vector<2048x384xf32>
    %add3A_64 = arith.addf %dot_general3A_59, %add3A_63 : vector<2048x384xf32>
    %slice3A_65 = vector.extract_strided_slice %add3A_54 {offsets = [0, 0], sizes = [2048, 128], strides = [1, 1]} : vector<2048x384xf32> to vector<2048x128xf32>
    %slice3A_66 = vector.extract_strided_slice %add3A_64 {offsets = [0, 0], sizes = [2048, 128], strides = [1, 1]} : vector<2048x384xf32> to vector<2048x128xf32>
    %add3A_67 = arith.addf %slice3A_65, %slice3A_66 : vector<2048x128xf32>
    %logistic3A = arith.negf %add3A_67 : vector<2048x128xf32>
    %logistic3A_68 = math.exp %logistic3A : vector<2048x128xf32>
    %logistic3A_69 = arith.constant 1.000000e+00 : f32
    %logistic3A_70 = vector.broadcast %logistic3A_69 : f32 to vector<2048x128xf32>
    %logistic3A_71 = arith.addf %logistic3A_70, %logistic3A_68 : vector<2048x128xf32>
    %logistic3A_72 = arith.divf %logistic3A_70, %logistic3A_71 : vector<2048x128xf32>
    %slice3A_73 = vector.extract_strided_slice %add3A_54 {offsets = [0, 128], sizes = [2048, 128], strides = [1, 1]} : vector<2048x384xf32> to vector<2048x128xf32>
    %slice3A_74 = vector.extract_strided_slice %add3A_64 {offsets = [0, 128], sizes = [2048, 128], strides = [1, 1]} : vector<2048x384xf32> to vector<2048x128xf32>
    %add3A_75 = arith.addf %slice3A_73, %slice3A_74 : vector<2048x128xf32>
    %logistic3A_76 = arith.negf %add3A_75 : vector<2048x128xf32>
    %logistic3A_77 = math.exp %logistic3A_76 : vector<2048x128xf32>
    %logistic3A_78 = arith.constant 1.000000e+00 : f32
    %logistic3A_79 = vector.broadcast %logistic3A_78 : f32 to vector<2048x128xf32>
    %logistic3A_80 = arith.addf %logistic3A_79, %logistic3A_77 : vector<2048x128xf32>
    %logistic3A_81 = arith.divf %logistic3A_79, %logistic3A_80 : vector<2048x128xf32>
    %slice3A_82 = vector.extract_strided_slice %add3A_54 {offsets = [0, 256], sizes = [2048, 128], strides = [1, 1]} : vector<2048x384xf32> to vector<2048x128xf32>
    %slice3A_83 = vector.extract_strided_slice %add3A_64 {offsets = [0, 256], sizes = [2048, 128], strides = [1, 1]} : vector<2048x384xf32> to vector<2048x128xf32>
    %mul3A_84 = arith.mulf %logistic3A_72, %slice3A_83 : vector<2048x128xf32>
    %add3A_85 = arith.addf %slice3A_82, %mul3A_84 : vector<2048x128xf32>
    %tanh3A = math.tanh %add3A_85 : vector<2048x128xf32>
    %sub3A = arith.constant 1.000000e+00 : f32
    %sub3A_86 = vector.broadcast %sub3A : f32 to vector<2048x128xf32>
    %sub3A_87 = arith.subf %sub3A_86, %logistic3A_81 : vector<2048x128xf32>
    %mul3A_88 = arith.mulf %sub3A_87, %tanh3A : vector<2048x128xf32>
    %mul3A_89 = arith.mulf %logistic3A_81, %get3A_1 : vector<2048x128xf32>
    %add3A_90 = arith.addf %mul3A_88, %mul3A_89 : vector<2048x128xf32>
    %swap3A = arith.constant 0 : index
    %swap3A_91 = arith.constant 0 : index
    %swap3A_92 = vector.load %arg13[%swap3A, %swap3A_91] : memref<2048x128xf32, #tpu.memory_space<vmem>>, vector<2048x128xf32>
    tpu.vector_store %arg13[%swap3A, %swap3A_91], %add3A_90 {strides = array<i32>} : memref<2048x128xf32, #tpu.memory_space<vmem>>, vector<2048x128xf32>,
    return
  }
  func.func @transform_0(%arg0: i32) -> (i32, i32) {
    %c0_i32 = arith.constant 0 : i32
    %c0_i32_0 = arith.constant 0 : i32
    return %arg0, %c0_i32 : i32, i32
  }
  func.func @transform_1(%arg0: i32) -> (i32, i32, i32) {
    %c0_i32 = arith.constant 0 : i32
    %c0_i32_0 = arith.constant 0 : i32
    %c0_i32_1 = arith.constant 0 : i32
    return %c0_i32, %arg0, %c0_i32_0 : i32, i32, i32
  }
  func.func @transform_2(%arg0: i32) -> (i32, i32) {
    %c0_i32 = arith.constant 0 : i32
    %c0_i32_0 = arith.constant 0 : i32
    return %c0_i32, %arg0 : i32, i32
  }
  func.func @transform_3(%arg0: i32) -> (i32, i32) {
    %c0_i32 = arith.constant 0 : i32
    %c0_i32_0 = arith.constant 0 : i32
    return %c0_i32, %arg0 : i32, i32
  }
  func.func @transform_4(%arg0: i32) -> (i32, i32) {
    %c0_i32 = arith.constant 0 : i32
    %c0_i32_0 = arith.constant 0 : i32
    %c0_i32_1 = arith.constant 0 : i32
    return %c0_i32, %c0_i32_0 : i32, i32
  }
  func.func @transform_5(%arg0: i32) -> (i32, i32) {
    %c0_i32 = arith.constant 0 : i32
    %c0_i32_0 = arith.constant 0 : i32
    %c0_i32_1 = arith.constant 0 : i32
    return %c0_i32, %c0_i32_0 : i32, i32
  }
  func.func @transform_6(%arg0: i32) -> (i32, i32) {
    %c0_i32 = arith.constant 0 : i32
    %c0_i32_0 = arith.constant 0 : i32
    %c0_i32_1 = arith.constant 0 : i32
    return %c0_i32, %c0_i32_0 : i32, i32
  }
  func.func @transform_7(%arg0: i32) -> (i32, i32) {
    %c0_i32 = arith.constant 0 : i32
    %c0_i32_0 = arith.constant 0 : i32
    %c0_i32_1 = arith.constant 0 : i32
    return %c0_i32, %c0_i32_0 : i32, i32
  }
  func.func @transform_8(%arg0: i32) -> (i32, i32) {
    %c0_i32 = arith.constant 0 : i32
    %c0_i32_0 = arith.constant 0 : i32
    %c0_i32_1 = arith.constant 0 : i32
    return %c0_i32, %c0_i32_0 : i32, i32
  }
  func.func @transform_9(%arg0: i32) -> (i32, i32) {
    %c0_i32 = arith.constant 0 : i32
    %c0_i32_0 = arith.constant 0 : i32
    %c0_i32_1 = arith.constant 0 : i32
    return %c0_i32, %c0_i32_0 : i32, i32
  }
  func.func @transform_10(%arg0: i32) -> (i32, i32) {
    %c0_i32 = arith.constant 0 : i32
    %c0_i32_0 = arith.constant 0 : i32
    %c0_i32_1 = arith.constant 0 : i32
    return %c0_i32, %c0_i32_0 : i32, i32
  }
  func.func @transform_11(%arg0: i32) -> (i32, i32) {
    %c0_i32 = arith.constant 0 : i32
    %c0_i32_0 = arith.constant 0 : i32
    %c0_i32_1 = arith.constant 0 : i32
    return %c0_i32, %c0_i32_0 : i32, i32
  }
  func.func @transform_12(%arg0: i32) -> (i32, i32) {
    %c0_i32 = arith.constant 0 : i32
    %c0_i32_0 = arith.constant 0 : i32
    return %arg0, %c0_i32 : i32, i32
  }
}

</mosaic_0001>

<sc_bundles>
// kernel: gather_offload_async_start.1
scs
__scs_entry_jumppad:
0x0: {  	(pc) =	sbr.rel $0x88, $3  }
0x1: {  	(tag) =	ssettag $0x0;
	lr =	simm.s32 $0x1  }
0x2: {  	[smem:$0x3F98] =	sst lr;
	_ =	strace $0xD0000000  }
0x3: {  	_ = 	snop  }
0x4: {  	_ = 	snop  }
0x5: {  	_ = 	snop  }
0x6: {  	_ = 	snop  }
0x7: {  	_ = 	snop  }
__scs_overlays_trampoline_lowered:
0x8: {  	[smem:$0x3FA7] =	sst s0  }
0x9: {  	[smem:$0x3FA8] =	sst s1  }
0xa: {  	[smem:$0x3FA9] =	sst s2  }
0xb: {  	[smem:$0x3FAA] =	sst s3  }
0xc: {  	[smem:$0x3FAB] =	sst s4  }
0xd: {  	[smem:$0x3FAC] =	sst s5  }
0xe: {  	[smem:$0x3FAD] =	sst s6  }
0xf: {  	[smem:$0x3FAE] =	sst s7  }
0x10: {  	[smem:$0x3FAF] =	sst s8  }
0x11: {  	[smem:$0x3FB0] =	sst s9;
	s0 =	simm.s32 @!p0 $0x0  }
0x12: {  	s1 =	sld [smem:$0x3F96];
	s0 =	simm.s32 @p0 $0x1  }
0x13: {  	[smem:$0x3FB1] =	sst s0;
	s0 =	simm.s32 @!p1 $0x0  }
0x14: {  	s2 =	sld [smem:$0x3F95];
	s0 =	simm.s32 @p1 $0x1  }
0x15: {  	[smem:$0x3FB2] =	sst s0;
	s0 =	simm.s32 @!p2 $0x0  }
0x16: {  	s3 =	sld [smem:$0x3FDB];
	s0 =	simm.s32 @p2 $0x1  }
0x17: {  	s4 =	simm.s32 $0x1BF5;
	[smem:$0x3FB4] =	sst s0  }
0x18: {  	s0 =	sld [smem:$0x3F97];
	_ =	swait.ge [sflag:s4], $0x0  }
0x19: {  	s7 =	sld [smem:$0x3F98]  }
0x1a: {  	s8 =	sadd.s32 $0xFFFFE003, lr  }
0x1b: {  	s9 =	sadd.s32 $0xFFFFFEF7, lr;
	s5 =	simm.s32 $0xFFFFFFFF;
	p2 =	slt.u32 s8, $0xFFFFF086  }
0x1c: {  	p1 =	slt.u32 s9, $0xF7A;
	s5 =	simm.s32 @!p2 $0x0  }
0x1d: {  	s5 =	simm.s32 @p1 $0x1;
	p0 =	seq.s32 s7, s2  }
0x1e: {  	s7 =	smul.u32 @!p0 $0xF7A, s2;
	p2 =	seq.s32 @!p0 s5, $0x0  }
0x1f: {  	s9 =	smul.u32 $0xF7A, s1;
	s8 =	simm.s32 @!p0 $0x1BF5;
	p2 =	por !p2, p0  }
0x20: {  	[sflag:s8] =	ssyncset.s32 @!p0 $0xFFFFF086;
	s6 =	sadd.s32 @!p0 s3, s7;
	s7 =	simm.s32 @!p0 $0x108  }
0x21: {  	s3 =	sadd.s32 s3, s9;
	s6 =	sadd.s32 @!p0 $0x88, s6;
	s7 =	simm.s32 @p2 $0x1082  }
0x22: {  	[simem:s7], [sflag:s8] =	dma.local @!p0 [hbm:s6], $0xF7A  }
0x23: {  	s9 =	sor.u32 $0xD0000000, s2;
	s6 =	simm.s32 $0x108;
	_ =	swait.ge @!p0 [sflag:s8], $0x0  }
0x24: {  	s3 =	sadd.s32 $0x88, s3;
	s6 =	simm.s32 @!p1 $0x1082;
	[sflag:s4] =	ssyncset.s32 $0xFFFFF086  }
0x25: {  	[simem:s6], [sflag:s4] =	dma.local [hbm:s3], $0xF7A  }
0x26: {  	[smem:$0x3F98] =	sst s1;
	(tag) =	ssettag s2;
	_ =	strace s9  }
0x27: {  	s1 =	sld [smem:$0x3FA8]  }
0x28: {  	s2 =	sld [smem:$0x3FA9]  }
0x29: {  	s4 =	sld [smem:$0x3FAB]  }
0x2a: {  	p0 =	seq.s32 s5, $0x0;
	s5 =	sld [smem:$0x3FAC]  }
0x2b: {  	s6 =	sld [smem:$0x3FAD]  }
0x2c: {  	s7 =	sld [smem:$0x3FAE]  }
0x2d: {  	s3 =	simm.s32 $0x108;
	s8 =	sld [smem:$0x3FAF]  }
0x2e: {  	s3 =	simm.s32 @!p0 $0x1082;
	s9 =	sld [smem:$0x3FB0]  }
0x2f: {  	lr =	sadd.s32 s0, s3;
	s0 =	sld [smem:$0x3FA7]  }
0x30: {  	s3 =	sld [smem:$0x3FAA]  }
0x31: {  	[smem:$0x3FB3] =	sst s10  }
0x32: {  	s10 =	sld [smem:$0x3FB1];
	_ =	sdelay $0x3  }
0x33: {  	p0 =	seq.s32 s10, $0x1;
	s10 =	sld [smem:$0x3FB3];
	_ =	sdelay $0x3  }
0x34: {  	[smem:$0x3FB3] =	sst s10  }
0x35: {  	s10 =	sld [smem:$0x3FB2];
	_ =	sdelay $0x3  }
0x36: {  	p1 =	seq.s32 s10, $0x1;
	s10 =	sld [smem:$0x3FB3];
	_ =	sdelay $0x3  }
0x37: {  	[smem:$0x3FB3] =	sst s10  }
0x38: {  	s10 =	sld [smem:$0x3FB4]  }
0x39: {  	_ = 	snop;
	(pc) =	sbr.ind lr, $3  }
0x3a: {  	_ = 	snop  }
0x3b: {  	_ = 	snop  }
0x3c: {  	p2 =	seq.s32 s10, $0x1;
	s10 =	sld [smem:$0x3FB3]  }
0x3d: {  	_ =	shalt  }
0x3e: {  	_ =	shalt  }
0x3f: {  	_ =	shalt  }
0x40: {  	_ =	shalt  }
0x41: {  	_ =	shalt  }
0x42: {  	_ =	shalt  }
0x43: {  	_ =	shalt  }
0x44: {  	_ =	shalt  }
0x45: {  	_ =	shalt  }
0x46: {  	_ =	shalt  }
0x47: {  	_ =	shalt  }
0x48: {  	_ =	shalt  }
0x49: {  	_ =	shalt  }
0x4a: {  	_ =	shalt  }
0x4b: {  	_ =	shalt  }
0x4c: {  	_ =	shalt  }
0x4d: {  	_ =	shalt  }
0x4e: {  	_ =	shalt  }
0x4f: {  	_ =	shalt  }
0x50: {  	_ =	shalt  }
0x51: {  	_ =	shalt  }
0x52: {  	_ =	shalt  }
0x53: {  	_ =	shalt  }
0x54: {  	_ =	shalt  }
0x55: {  	_ =	shalt  }
0x56: {  	_ =	shalt  }
0x57: {  	_ =	shalt  }
0x58: {  	_ =	shalt  }
0x59: {  	_ =	shalt  }
0x5a: {  	_ =	shalt  }
0x5b: {  	_ =	shalt  }
0x5c: {  	_ =	shalt  }
0x5d: {  	_ =	shalt  }
0x5e: {  	_ =	shalt  }
0x5f: {  	_ =	shalt  }
0x60: {  	_ =	shalt  }
0x61: {  	_ =	shalt  }
0x62: {  	_ =	shalt  }
0x63: {  	_ =	shalt  }
0x64: {  	_ =	shalt  }
0x65: {  	_ =	shalt  }
0x66: {  	_ =	shalt  }
0x67: {  	_ =	shalt  }
0x68: {  	_ =	shalt  }
0x69: {  	_ =	shalt  }
0x6a: {  	_ =	shalt  }
0x6b: {  	_ =	shalt  }
0x6c: {  	_ =	shalt  }
0x6d: {  	_ =	shalt  }
0x6e: {  	_ =	shalt  }
0x6f: {  	_ =	shalt  }
0x70: {  	_ =	shalt  }
0x71: {  	_ =	shalt  }
0x72: {  	_ =	shalt  }
0x73: {  	_ =	shalt  }
0x74: {  	_ =	shalt  }
0x75: {  	_ =	shalt  }
0x76: {  	_ =	shalt  }
0x77: {  	_ =	shalt  }
0x78: {  	_ =	shalt  }
0x79: {  	_ =	shalt  }
0x7a: {  	_ =	shalt  }
0x7b: {  	_ =	shalt  }
0x7c: {  	_ =	shalt  }
0x7d: {  	_ =	shalt  }
0x7e: {  	_ =	shalt  }
0x7f: {  	_ =	shalt  }
0x80: {  	_ =	shalt  }
0x81: {  	_ =	shalt  }
0x82: {  	_ =	shalt  }
0x83: {  	_ =	shalt  }
0x84: {  	_ =	shalt  }
0x85: {  	_ =	shalt  }
0x86: {  	_ =	shalt  }
0x87: {  	_ =	shalt  }
.Lfunc_end0:
.L_simem_size_0:
called_computation.1_lowered:
.L_overlay_start_0:
0x88: {  	s2 =	sld [smem:$0x3FD9]  }
0x89: {  	s3 =	sld [smem:$0x3FFE];
	_ =	sdelay $0x1  }
0x8a: {  	s1 =	srdreg.scid  }
0x8b: {  	s0 =	sand.u32 $0x1, s1  }
0x8c: {  	s16 =	sshll.u32 s0, $0xA;
	s2 =	sadd.s32 s3, s2  }
0x8d: {  	s2 =	sadd.s32 s2, s16  }
0x8e: {  	[smem:$0x3FBF] =	sst s2  }
0x8f: {  	_ = 	snop  }
0x90: {  	(tm) =	ssettm $0x1  }
0x91: {  	s17 =	sld [smem:$0x3FFB];
	_ =	sdelay $0x3  }
0x92: {  	_ =	strace s17  }
0x93: {  	s2 =	sld [smem:$0x3FFC];
	_ =	sdelay $0x3  }
0x94: {  	_ =	strace s2  }
0x95: {  	s2 =	sld [smem:$0x3FFD];
	_ =	sdelay $0x3  }
0x96: {  	_ =	strace s2  }
0x97: {  	_ =	strace $0x8FFFFFFF  }
0x98: {  	s18 =	sld [smem:$0x3FDB];
	_ =	sdelay $0x1  }
0x99: {  	s19 =	simm.s32 $_scs_section_size  }
0x9a: {  	s4 =	simm.s32 $_size__tile_overlayer_lowered;
	s5 =	simm.s32 $_tile_overlayer_lowered  }
0x9b: {  	s22 =	simm.s32 $0x1BFF;
	s21 =	sshll.u32 s5, $0x1;
	s2 =	sadd.s32 s19, s18  }
0x9c: {  	s6 =	simm.s32 $0x0;
	s20 =	sshll.u32 s4, $0x1;
	s4 =	sadd.s32 s21, s2  }
0x9d: {  	[timem:s6], [sflag:s22] =	dma.local [hbm:s4], s20  }
0x9e: {  	_ =	swait.ge [sflag:s22], s20  }
0x9f: {  	s3 =	ssub.s32 $0x0, s20;
	[sflag:s22] =	ssyncset.done $0x0  }
0xa0: {  	[sflag:s22] =	ssyncadd.s32 s3;
	_ =	sdelay $0x1  }
0xa1: {  	s23 =	simm.s32 $0x1B8B  }
0xa2: {  	_ =	swait.ge [sflag:s23], $0x1  }
0xa3: {  	[sflag:s23] =	ssyncset.done $0x0  }
0xa4: {  	s25 =	simm.s32 $0x1B8E;
	s24 =	sld [smem:$0x3FFE];
	[sflag:s23] =	ssyncadd.s32 $0xFFFFFFFF  }
0xa5: {  	s26 =	simm.s32 $execute0_lowered;
	[smem:$0x3FD2] =	sst s25  }
0xa6: {  	s4 =	sshll.u32 s26, $0x1;
	_ =	strace $0x80000049;
	[dreg:$0x1] =	wrdreg $0xFFFFFFFF  }
0xa7: {  	s28 =	simm.s32 $_size_execute0_lowered;
	s2 =	sadd.s32 s2, s4;
	[dreg:$0x0] =	wrdreg $0x0  }
0xa8: {  	s4 =	sshll.u32 s28, $0x1;
	[dreg:$0x2] =	wrdreg s2  }
0xa9: {  	[dreg:$0x3] =	wrdreg s4  }
0xaa: {  	[dreg:$0x4] =	wrdreg $0xC0  }
0xab: {  	_ =	task [dreg:s6], $0x5FFFF  }
0xac: {  	[dreg:$0x1] =	wrdreg $0xFFFFFFFF  }
0xad: {  	[dreg:$0x0] =	wrdreg $0x60  }
0xae: {  	[dreg:$0x2] =	wrdreg s24  }
0xaf: {  	[dreg:$0x3] =	wrdreg $0xA  }
0xb0: {  	_ =	task.clear_ibuf [dreg:s6], $0x4FFFF;
	_ =	strace $0x90000049  }
0xb1: {  	s29 =	simm.s32 $0xA;
	_ =	strace $0x8000004B  }
0xb2: {  	_ =	swait.ge [sflag:s29], $0x1  }
0xb3: {  	[sflag:s29] =	ssyncadd.s32 $0xFFFFFFFF  }
0xb4: {  	_ =	strace $0x9000004B  }
0xb5: {  	_ =	sfence  }
0xb6: {  	s30 =	sld [smem:$0x0];
	_ =	sdelay $0x2  }
0xb7: {  	s31 =	sshll.u32 s1, $0xD;
	s1 =	sshrl.u32 s1, $0x2  }
0xb8: {  	s3 =	sand.u32 $0x4000, s31;
	s1 =	sadd.s32 s1, s30  }
0xb9: {  	s0 =	sor.u32 s3, s0;
	s1 =	sshll.u32 s1, $0x11  }
0xba: {  	s0 =	sor.u32 s1, s0  }
0xbb: {  	s0 =	sadd.s32 $0x8F2B, s0  }
0xbc: {  	[sflag:s0] =	ssyncadd.remote.s32 $0x1  }
0xbd: {  	_ =	sfence.sel $0xFFFF  }
0xbe: {  	[dreg:$0x0] =	wrdreg $0xFFFFFFFF;
	(pc) =	sbr.abs _section_cstart, $3  }
0xbf: {  	[dreg:$0x1] =	wrdreg $0xFFFFFFFF  }
0xc0: {  	_ =	task.clear_ibuf [dreg:s6], $0x2FFFF;
	_ =	strace $0x9FFFFFFF  }
0xc1: {  	(tm) =	ssettm $0x7FFFFFFF  }
tec
execute0_lowered:
.L_overlay_start_1:
0x0: {  	(tag) =	ssettag $0x1  }
0x1: {  	s8 =	rddreg [dreg:$0x0]  }
0x2: {  	s0 =	rddreg [dreg:$0x1];
	_ =	strace $0x8000004A;
	s1 =	stileid.u32  }
0x3: {  	s3 =	srdreg.scid;
	s4 =	simm.s32 $0x1;
	s7 =	simm.s32 $0x1  }
0x4: {  	s9 =	simm.s32 $0x1;
	s10 =	simm.s32 $0x3;
	s13 =	simm.s32 $0x0  }
0x5: {  	s12 =	simm.s32 $0x0;
	s5 =	sand.u32 $0x1, s3;
	s6 =	sshll.u32 s1, $0x1  }
0x6: {  	s2 =	sadd.s32 $0x16200, s8;
	s3 =	sadd.s32 $0x20000, s8;
	s5 =	sor.u32 s6, s5  }
.Ltmp0:
0x7: {  	[sflag:s4] =	ssyncpa.u1 $0x0;
	p0 =	slt.u32 s5, $0x9;
	(pc) =	sbr.rel .LBB2_1-.Ltmp0, $4  }
0x8: {  	s6 =	simm.s32 $0x2;
	s7 =	simm.s32 @!p0 $0x0;
	p0 =	sne.s32 s5, $0x8  }
0x9: {  	[sflag:s6] =	ssyncpa.u1 $0x0;
	s5 =	smul.u32 $0x1F40, s5;
	s9 =	simm.s32 @!p0 $0x0  }
0xa: {  	s8 =	sadd.s32 $0x2600, s8;
	[sflag:s10] =	ssyncpa.u1 $0x0;
	s7 =	sadd.s32 s9, s7  }
0xb: {  	vm0 =	vmmov $0xffff;
	s10 =	simm.s32 $0x0;
	s11 =	smov.u32 s5;
	s9 =	sadd.s32 $0x1, s7  }
.LBB2_4:
0xc: {  	v2 =	vnsel vm1, $0x0, v2  }
0xd: {  	vm1 =	vgt.s32 v0, $0x0;
	v2 =	vmin.u32 v2, $0x4E1FF  }
0xe: {  	v0 =	vnsel vm1, $0x0, v0  }
0xf: {  	v0 =	vmin.u32 v0, $0x4E1FF  }
0x10: {  	[tilespmem:s18], [sflag:$0x1] =	stream.indirect_vreg.gather [hbm4b:s2+s10], $0x1, v1, vm0, $0x4038;
	[tilespmem:$0x7D00] =	vst v63  }
0x11: {  	(ifvalue) =	ssetifvalue $0x7FFFFFFF  }
0x12: {  	[tilespmem:s15], [sflag:$0x1] =	stream.indirect_vreg.gather [hbm4b:s2+s10], $0x1, v2, vm0, $0x4038;
	[tilespmem:$0x7D00] =	vst v63  }
0x13: {  	s29 =	sadd.s32 $0x10, s15;
	(ifvalue) =	ssetifvalue $0x7FFFFFFF  }
0x14: {  	[tilespmem:s29], [sflag:$0x1] =	stream.indirect_vreg.gather [hbm4b:s2+s10], $0x1, v0, vm0, $0x4038;
	[tilespmem:$0x7D00] =	vst v63  }
0x15: {  	_ =	swait.ge [sflag:s4], $0x1F40  }
0x16: {  	s30 =	sshrl.u32 s13, $0x3;
	[sflag:s4] =	ssyncset.done $0x0  }
0x17: {  	s31 =	sand.u32 $0x7, s13;
	s15 =	sadd.s32 s8, s30;
	[sflag:s4] =	ssyncadd.s32 $0xFFFFE0C0  }
0x18: {  	[hbm4b:s15+s31] =	stream.linear.scatter [tilespmem:s14], [sflag:$0x3], $0x1F40, $0x38;
	[tilespmem:$0x7D00] =	vst v63  }
.LBB2_5:
0x19: {  	s15 =	sadd.s32 $0x3E800, s11  }
0x1a: {  	p1 =	sgt.s32 s15, $0x4E1FF  }
0x1b: {  	s15 =	smov.u32 @p1 s5;
	p1 =	sne.s32 s12, s9  }
.Ltmp1:
0x1c: {  	p0 =	slt.u32 s12, $0x2;
	(pc) =	sbr.rel @!p1 .LBB2_6-.Ltmp1, $4  }
0x1d: {  	s14 =	simm.s32 @!p0 $0x3  }
0x1e: {  	_ =	swait.ge @!p0 [sflag:s14], $0x1F40  }
0x1f: {  	s16 =	sadd.s32 $0x1, s12;
	s13 =	smov.u32 s11;
	[sflag:s14] =	ssyncset.done @!p0 $0x0  }
0x20: {  	s12 =	smov.u32 s16;
	s11 =	smov.u32 s15;
	[sflag:s14] =	ssyncadd.s32 @!p0 $0xFFFFE0C0  }
.LBB2_1:
0x21: {  	p0 =	sge.u32 s12, s7  }
0x22: {  	s14 =	sxor.u32 @!p0 $0x1, s12  }
0x23: {  	s14 =	smul.u32 @!p0 $0x7D00, s14  }
0x24: {  	s31 =	sadd.s32 $0xFFFFFFFF, s12;
	s15 =	sshrl.u32 @!p0 s11, $0x3  }
0x25: {  	s16 =	sand.u32 @!p0 $0x7, s11;
	s15 =	sadd.s32 @!p0 s3, s15;
	s14 =	sshra.s32 @!p0 s14, $0x2  }
0x26: {  	[tilespmem:s14], [sflag:$0x2] =	stream.linear.gather @!p0 [hbm4b:s15+s16], $0x1F40, $0x38;
	[tilespmem:$0x7D00] =	vst v63  }
0x27: {  	p0 =	sge.u32 s31, s7  }
.Ltmp2:
0x28: {  	_ = 	snop;
	(pc) =	sbr.rel @p0 .LBB2_5-.Ltmp2, $1  }
0x29: {  	_ =	sdelay $0x3  }
0x2a: {  	s14 =	sand.u32 $0x1, s12  }
0x2b: {  	_ =	swait.ge [sflag:s6], $0x1F40;
	p0 =	seq.s32 s14, $0x1;
	s14 =	simm.s32 $0x1F40  }
0x2c: {  	[sflag:s6] =	ssyncset.done $0x0;
	s14 =	simm.s32 @!p0 $0x0  }
0x2d: {  	[sflag:s6] =	ssyncadd.s32 $0xFFFFE0C0;
	(ifvalue) =	ssetifvalue $0x7FFFFFFF;
	v0 =	vld.msk [tilespmem:s14+$0x0 ss:$0x1], $0xffff;
	_ =	sdelay $0x4  }
0x2e: {  	s15 =	sadd.s32 $0x10, s14;
	vm1 =	vgt.s32 v0, $0x0  }
0x2f: {  	v2 =	vld.msk [tilespmem:s15+$0x0 ss:$0x1], $0xffff;
	v1 =	vnsel vm1, $0x0, v0  }
0x30: {  	v1 =	vmin.u32 v1, $0x4E1FF;
	_ =	sdelay $0x2  }
0x31: {  	s17 =	simm.s32 $0x20;
	s14 =	sadd.s32 $0x3E80, s14;
	s16 =	sadd.s32 $0x10, s15  }
0x32: {  	s15 =	sadd.s32 $0x10, s14;
	s18 =	smov.u32 s14;
	v0 =	vld.msk [tilespmem:s16+$0x0 ss:$0x1], $0xffff;
	vm1 =	vgt.s32 v2, $0x0;
	(ifvalue) =	ssetifvalue $0x7FFFFFFF  }
.LBB2_3:
0x33: {  	[tilespmem:s18], [sflag:$0x1] =	stream.indirect_vreg.gather [hbm4b:s2+s10], $0x1, v1, vm0, $0x4038;
	[tilespmem:$0x7D00] =	vst v63  }
0x34: {  	s17 =	sadd.s32 $0x10, s17  }
0x35: {  	v2 =	vnsel vm1, $0x0, v2;
	p0 =	slt.u32 s17, $0x1F30  }
.Ltmp3:
0x36: {  	s18 =	smov.u32 s15;
	v1 =	vmin.u32 v2, $0x4E1FF;
	(pc) =	sbr.rel @p0 .LBB2_3-.Ltmp3, $3  }
0x37: {  	_ =	sdelay $0x1  }
0x38: {  	s16 =	sadd.s32 $0x10, s16  }
0x39: {  	vm1 =	vgt.s32 v0, $0x0;
	s15 =	sadd.s32 $0x10, s15;
	v2 =	vmov v0;
	(ifvalue) =	ssetifvalue $0x7FFFFFFF;
	v0 =	vld.msk [tilespmem:s16+$0x0 ss:$0x1], $0xffff  }
.Ltmp4:
0x3a: {  	_ = 	snop;
	(pc) =	sbr.rel .LBB2_4-.Ltmp4, $1  }
0x3b: {  	_ =	sdelay $0x3  }
.LBB2_6:
0x3c: {  	_ =	sfence.sel $0x180000  }
0x3d: {  	s2 =	simm.s32 $0x2;
	[bflag:$0x0] =	sbarrier.arrive $0xFFFF  }
0x3e: {  	s30 =	simm.s32 $0x3;
	[sflag:s2] =	ssyncpa.u1 $0x1  }
0x3f: {  	s31 =	simm.s32 $0x1;
	[sflag:s30] =	ssyncpa.u1 $0x1  }
0x40: {  	[sflag:s31] =	ssyncpa.u1 $0x1  }
0x41: {  	p0 =	sne.s32 s1, $0x0;
	_ =	strace $0x9000004A  }
0x42: {  	s0 =	sadd.s32 @!p0 $0x100000, s0;
	[bflag:$0x2] =	sbarrier.arrive $0xFFFF  }
0x43: {  	[sflag:s0] =	ssyncadd.tile.s32 @!p0 $0x1;
	_ =	shalt  }
.Lfunc_end2:
_tile_overlayer_lowered:
.L_overlay_start_2:
0x44: {  	(tag) =	ssettag $0x2  }
0x45: {  	s0 =	rddreg [dreg:$0x0];
	s2 =	stileid.u32  }
0x46: {  	s1 =	rddreg [dreg:$0x1];
	p0 =	sne.s32 s2, $0x0  }
0x47: {  	s3 =	rddreg [dreg:$0x2];
	[bflag:$0x3] =	sbarrier.arrive $0xFFFF;
	s2 =	simm.s32 @!p0 $0x1C01  }
0x48: {  	[timem:s3], [sflag:s2] =	dma.local @!p0 [hbm:s0], s1  }
0x49: {  	s0 =	simm.s32 @!p0 $0x1  }
0x4a: {  	_ =	swait.ge @!p0 [sflag:s0], s1  }
0x4b: {  	s1 =	ssub.s32 @!p0 $0x0, s1;
	[sflag:s0] =	ssyncset.done @!p0 $0x0  }
0x4c: {  	[sflag:s0] =	ssyncadd.s32 @!p0 s1  }
0x4d: {  	[bflag:$0x3] =	sbarrier.arrive $0xFFFF  }
0x4e: {  	_ =	shalt  }

// kernel: gather_offload_async_start.2
scs
__scs_entry_jumppad:
0x0: {  	(pc) =	sbr.rel $0x88, $3  }
0x1: {  	(tag) =	ssettag $0x0;
	lr =	simm.s32 $0x1  }
0x2: {  	[smem:$0x3F98] =	sst lr;
	_ =	strace $0xD0000000  }
0x3: {  	_ = 	snop  }
0x4: {  	_ = 	snop  }
0x5: {  	_ = 	snop  }
0x6: {  	_ = 	snop  }
0x7: {  	_ = 	snop  }
__scs_overlays_trampoline_lowered:
0x8: {  	[smem:$0x3FA7] =	sst s0  }
0x9: {  	[smem:$0x3FA8] =	sst s1  }
0xa: {  	[smem:$0x3FA9] =	sst s2  }
0xb: {  	[smem:$0x3FAA] =	sst s3  }
0xc: {  	[smem:$0x3FAB] =	sst s4  }
0xd: {  	[smem:$0x3FAC] =	sst s5  }
0xe: {  	[smem:$0x3FAD] =	sst s6  }
0xf: {  	[smem:$0x3FAE] =	sst s7  }
0x10: {  	[smem:$0x3FAF] =	sst s8  }
0x11: {  	[smem:$0x3FB0] =	sst s9;
	s0 =	simm.s32 @!p0 $0x0  }
0x12: {  	s1 =	sld [smem:$0x3F96];
	s0 =	simm.s32 @p0 $0x1  }
0x13: {  	[smem:$0x3FB1] =	sst s0;
	s0 =	simm.s32 @!p1 $0x0  }
0x14: {  	s2 =	sld [smem:$0x3F95];
	s0 =	simm.s32 @p1 $0x1  }
0x15: {  	[smem:$0x3FB2] =	sst s0;
	s0 =	simm.s32 @!p2 $0x0  }
0x16: {  	s3 =	sld [smem:$0x3FDB];
	s0 =	simm.s32 @p2 $0x1  }
0x17: {  	s4 =	simm.s32 $0x1BF5;
	[smem:$0x3FB4] =	sst s0  }
0x18: {  	s0 =	sld [smem:$0x3F97];
	_ =	swait.ge [sflag:s4], $0x0  }
0x19: {  	s7 =	sld [smem:$0x3F98]  }
0x1a: {  	s8 =	sadd.s32 $0xFFFFE003, lr  }
0x1b: {  	s9 =	sadd.s32 $0xFFFFFEF7, lr;
	s5 =	simm.s32 $0xFFFFFFFF;
	p2 =	slt.u32 s8, $0xFFFFF086  }
0x1c: {  	p1 =	slt.u32 s9, $0xF7A;
	s5 =	simm.s32 @!p2 $0x0  }
0x1d: {  	s5 =	simm.s32 @p1 $0x1;
	p0 =	seq.s32 s7, s2  }
0x1e: {  	s7 =	smul.u32 @!p0 $0xF7A, s2;
	p2 =	seq.s32 @!p0 s5, $0x0  }
0x1f: {  	s9 =	smul.u32 $0xF7A, s1;
	s8 =	simm.s32 @!p0 $0x1BF5;
	p2 =	por !p2, p0  }
0x20: {  	[sflag:s8] =	ssyncset.s32 @!p0 $0xFFFFF086;
	s6 =	sadd.s32 @!p0 s3, s7;
	s7 =	simm.s32 @!p0 $0x108  }
0x21: {  	s3 =	sadd.s32 s3, s9;
	s6 =	sadd.s32 @!p0 $0x88, s6;
	s7 =	simm.s32 @p2 $0x1082  }
0x22: {  	[simem:s7], [sflag:s8] =	dma.local @!p0 [hbm:s6], $0xF7A  }
0x23: {  	s9 =	sor.u32 $0xD0000000, s2;
	s6 =	simm.s32 $0x108;
	_ =	swait.ge @!p0 [sflag:s8], $0x0  }
0x24: {  	s3 =	sadd.s32 $0x88, s3;
	s6 =	simm.s32 @!p1 $0x1082;
	[sflag:s4] =	ssyncset.s32 $0xFFFFF086  }
0x25: {  	[simem:s6], [sflag:s4] =	dma.local [hbm:s3], $0xF7A  }
0x26: {  	[smem:$0x3F98] =	sst s1;
	(tag) =	ssettag s2;
	_ =	strace s9  }
0x27: {  	s1 =	sld [smem:$0x3FA8]  }
0x28: {  	s2 =	sld [smem:$0x3FA9]  }
0x29: {  	s4 =	sld [smem:$0x3FAB]  }
0x2a: {  	p0 =	seq.s32 s5, $0x0;
	s5 =	sld [smem:$0x3FAC]  }
0x2b: {  	s6 =	sld [smem:$0x3FAD]  }
0x2c: {  	s7 =	sld [smem:$0x3FAE]  }
0x2d: {  	s3 =	simm.s32 $0x108;
	s8 =	sld [smem:$0x3FAF]  }
0x2e: {  	s3 =	simm.s32 @!p0 $0x1082;
	s9 =	sld [smem:$0x3FB0]  }
0x2f: {  	lr =	sadd.s32 s0, s3;
	s0 =	sld [smem:$0x3FA7]  }
0x30: {  	s3 =	sld [smem:$0x3FAA]  }
0x31: {  	[smem:$0x3FB3] =	sst s10  }
0x32: {  	s10 =	sld [smem:$0x3FB1];
	_ =	sdelay $0x3  }
0x33: {  	p0 =	seq.s32 s10, $0x1;
	s10 =	sld [smem:$0x3FB3];
	_ =	sdelay $0x3  }
0x34: {  	[smem:$0x3FB3] =	sst s10  }
0x35: {  	s10 =	sld [smem:$0x3FB2];
	_ =	sdelay $0x3  }
0x36: {  	p1 =	seq.s32 s10, $0x1;
	s10 =	sld [smem:$0x3FB3];
	_ =	sdelay $0x3  }
0x37: {  	[smem:$0x3FB3] =	sst s10  }
0x38: {  	s10 =	sld [smem:$0x3FB4]  }
0x39: {  	_ = 	snop;
	(pc) =	sbr.ind lr, $3  }
0x3a: {  	_ = 	snop  }
0x3b: {  	_ = 	snop  }
0x3c: {  	p2 =	seq.s32 s10, $0x1;
	s10 =	sld [smem:$0x3FB3]  }
0x3d: {  	_ =	shalt  }
0x3e: {  	_ =	shalt  }
0x3f: {  	_ =	shalt  }
0x40: {  	_ =	shalt  }
0x41: {  	_ =	shalt  }
0x42: {  	_ =	shalt  }
0x43: {  	_ =	shalt  }
0x44: {  	_ =	shalt  }
0x45: {  	_ =	shalt  }
0x46: {  	_ =	shalt  }
0x47: {  	_ =	shalt  }
0x48: {  	_ =	shalt  }
0x49: {  	_ =	shalt  }
0x4a: {  	_ =	shalt  }
0x4b: {  	_ =	shalt  }
0x4c: {  	_ =	shalt  }
0x4d: {  	_ =	shalt  }
0x4e: {  	_ =	shalt  }
0x4f: {  	_ =	shalt  }
0x50: {  	_ =	shalt  }
0x51: {  	_ =	shalt  }
0x52: {  	_ =	shalt  }
0x53: {  	_ =	shalt  }
0x54: {  	_ =	shalt  }
0x55: {  	_ =	shalt  }
0x56: {  	_ =	shalt  }
0x57: {  	_ =	shalt  }
0x58: {  	_ =	shalt  }
0x59: {  	_ =	shalt  }
0x5a: {  	_ =	shalt  }
0x5b: {  	_ =	shalt  }
0x5c: {  	_ =	shalt  }
0x5d: {  	_ =	shalt  }
0x5e: {  	_ =	shalt  }
0x5f: {  	_ =	shalt  }
0x60: {  	_ =	shalt  }
0x61: {  	_ =	shalt  }
0x62: {  	_ =	shalt  }
0x63: {  	_ =	shalt  }
0x64: {  	_ =	shalt  }
0x65: {  	_ =	shalt  }
0x66: {  	_ =	shalt  }
0x67: {  	_ =	shalt  }
0x68: {  	_ =	shalt  }
0x69: {  	_ =	shalt  }
0x6a: {  	_ =	shalt  }
0x6b: {  	_ =	shalt  }
0x6c: {  	_ =	shalt  }
0x6d: {  	_ =	shalt  }
0x6e: {  	_ =	shalt  }
0x6f: {  	_ =	shalt  }
0x70: {  	_ =	shalt  }
0x71: {  	_ =	shalt  }
0x72: {  	_ =	shalt  }
0x73: {  	_ =	shalt  }
0x74: {  	_ =	shalt  }
0x75: {  	_ =	shalt  }
0x76: {  	_ =	shalt  }
0x77: {  	_ =	shalt  }
0x78: {  	_ =	shalt  }
0x79: {  	_ =	shalt  }
0x7a: {  	_ =	shalt  }
0x7b: {  	_ =	shalt  }
0x7c: {  	_ =	shalt  }
0x7d: {  	_ =	shalt  }
0x7e: {  	_ =	shalt  }
0x7f: {  	_ =	shalt  }
0x80: {  	_ =	shalt  }
0x81: {  	_ =	shalt  }
0x82: {  	_ =	shalt  }
0x83: {  	_ =	shalt  }
0x84: {  	_ =	shalt  }
0x85: {  	_ =	shalt  }
0x86: {  	_ =	shalt  }
0x87: {  	_ =	shalt  }
.Lfunc_end0:
.L_simem_size_0:
called_computation.2_lowered:
.L_overlay_start_0:
0x88: {  	s2 =	sld [smem:$0x3FD9]  }
0x89: {  	s3 =	sld [smem:$0x3FFE];
	_ =	sdelay $0x1  }
0x8a: {  	s1 =	srdreg.scid  }
0x8b: {  	s0 =	sand.u32 $0x1, s1  }
0x8c: {  	s16 =	sshll.u32 s0, $0xA;
	s2 =	sadd.s32 s3, s2  }
0x8d: {  	s2 =	sadd.s32 s2, s16  }
0x8e: {  	[smem:$0x3FBF] =	sst s2  }
0x8f: {  	_ = 	snop  }
0x90: {  	(tm) =	ssettm $0x1  }
0x91: {  	s17 =	sld [smem:$0x3FFB];
	_ =	sdelay $0x3  }
0x92: {  	_ =	strace s17  }
0x93: {  	s2 =	sld [smem:$0x3FFC];
	_ =	sdelay $0x3  }
0x94: {  	_ =	strace s2  }
0x95: {  	s2 =	sld [smem:$0x3FFD];
	_ =	sdelay $0x3  }
0x96: {  	_ =	strace s2  }
0x97: {  	_ =	strace $0x8FFFFFFF  }
0x98: {  	s18 =	sld [smem:$0x3FDB];
	_ =	sdelay $0x1  }
0x99: {  	s19 =	simm.s32 $_scs_section_size  }
0x9a: {  	s4 =	simm.s32 $_size__tile_overlayer_lowered;
	s5 =	simm.s32 $_tile_overlayer_lowered  }
0x9b: {  	s22 =	simm.s32 $0x1BFF;
	s21 =	sshll.u32 s5, $0x1;
	s2 =	sadd.s32 s19, s18  }
0x9c: {  	s6 =	simm.s32 $0x0;
	s20 =	sshll.u32 s4, $0x1;
	s4 =	sadd.s32 s21, s2  }
0x9d: {  	[timem:s6], [sflag:s22] =	dma.local [hbm:s4], s20  }
0x9e: {  	_ =	swait.ge [sflag:s22], s20  }
0x9f: {  	s3 =	ssub.s32 $0x0, s20;
	[sflag:s22] =	ssyncset.done $0x0  }
0xa0: {  	[sflag:s22] =	ssyncadd.s32 s3;
	_ =	sdelay $0x1  }
0xa1: {  	s23 =	simm.s32 $0x1B8B  }
0xa2: {  	_ =	swait.ge [sflag:s23], $0x1  }
0xa3: {  	[sflag:s23] =	ssyncset.done $0x0  }
0xa4: {  	s25 =	simm.s32 $0x1B8E;
	s24 =	sld [smem:$0x3FFE];
	[sflag:s23] =	ssyncadd.s32 $0xFFFFFFFF  }
0xa5: {  	s26 =	simm.s32 $execute0_lowered;
	[smem:$0x3FD2] =	sst s25  }
0xa6: {  	s4 =	sshll.u32 s26, $0x1;
	_ =	strace $0x80000046;
	[dreg:$0x1] =	wrdreg $0xFFFFFFFF  }
0xa7: {  	s28 =	simm.s32 $_size_execute0_lowered;
	s2 =	sadd.s32 s2, s4;
	[dreg:$0x0] =	wrdreg $0x0  }
0xa8: {  	s4 =	sshll.u32 s28, $0x1;
	[dreg:$0x2] =	wrdreg s2  }
0xa9: {  	[dreg:$0x3] =	wrdreg s4  }
0xaa: {  	[dreg:$0x4] =	wrdreg $0xC0  }
0xab: {  	_ =	task [dreg:s6], $0x5FFFF  }
0xac: {  	[dreg:$0x1] =	wrdreg $0xFFFFFFFF  }
0xad: {  	[dreg:$0x0] =	wrdreg $0x60  }
0xae: {  	[dreg:$0x2] =	wrdreg s24  }
0xaf: {  	[dreg:$0x3] =	wrdreg $0x9  }
0xb0: {  	_ =	task.clear_ibuf [dreg:s6], $0x4FFFF;
	_ =	strace $0x90000046  }
0xb1: {  	s29 =	simm.s32 $0x9;
	_ =	strace $0x80000048  }
0xb2: {  	_ =	swait.ge [sflag:s29], $0x1  }
0xb3: {  	[sflag:s29] =	ssyncadd.s32 $0xFFFFFFFF  }
0xb4: {  	_ =	strace $0x90000048  }
0xb5: {  	_ =	sfence  }
0xb6: {  	s30 =	sld [smem:$0x0];
	_ =	sdelay $0x2  }
0xb7: {  	s31 =	sshll.u32 s1, $0xD;
	s1 =	sshrl.u32 s1, $0x2  }
0xb8: {  	s3 =	sand.u32 $0x4000, s31;
	s1 =	sadd.s32 s1, s30  }
0xb9: {  	s0 =	sor.u32 s3, s0;
	s1 =	sshll.u32 s1, $0x11  }
0xba: {  	s0 =	sor.u32 s1, s0  }
0xbb: {  	s0 =	sadd.s32 $0x8F2B, s0  }
0xbc: {  	[sflag:s0] =	ssyncadd.remote.s32 $0x1  }
0xbd: {  	_ =	sfence.sel $0xFFFF  }
0xbe: {  	[dreg:$0x0] =	wrdreg $0xFFFFFFFF;
	(pc) =	sbr.abs _section_cstart, $3  }
0xbf: {  	[dreg:$0x1] =	wrdreg $0xFFFFFFFF  }
0xc0: {  	_ =	task.clear_ibuf [dreg:s6], $0x2FFFF;
	_ =	strace $0x9FFFFFFF  }
0xc1: {  	(tm) =	ssettm $0x7FFFFFFF  }
tec
execute0_lowered:
.L_overlay_start_1:
0x0: {  	(tag) =	ssettag $0x1  }
0x1: {  	s8 =	rddreg [dreg:$0x0]  }
0x2: {  	s0 =	rddreg [dreg:$0x1];
	_ =	strace $0x80000047;
	s1 =	stileid.u32  }
0x3: {  	s3 =	srdreg.scid;
	s4 =	simm.s32 $0x1;
	s7 =	simm.s32 $0x1  }
0x4: {  	s9 =	simm.s32 $0x1;
	s10 =	simm.s32 $0x3;
	s13 =	simm.s32 $0x0  }
0x5: {  	s12 =	simm.s32 $0x0;
	s5 =	sand.u32 $0x1, s3;
	s6 =	sshll.u32 s1, $0x1  }
0x6: {  	s2 =	sadd.s32 $0x2600, s8;
	s3 =	sadd.s32 $0x20000, s8;
	s5 =	sor.u32 s6, s5  }
.Ltmp0:
0x7: {  	[sflag:s4] =	ssyncpa.u1 $0x0;
	p0 =	slt.u32 s5, $0x9;
	(pc) =	sbr.rel .LBB2_1-.Ltmp0, $4  }
0x8: {  	s6 =	simm.s32 $0x2;
	s7 =	simm.s32 @!p0 $0x0;
	p0 =	sne.s32 s5, $0x8  }
0x9: {  	[sflag:s6] =	ssyncpa.u1 $0x0;
	s5 =	smul.u32 $0x1F40, s5;
	s9 =	simm.s32 @!p0 $0x0  }
0xa: {  	s8 =	sadd.s32 $0x29E00, s8;
	[sflag:s10] =	ssyncpa.u1 $0x0;
	s7 =	sadd.s32 s9, s7  }
0xb: {  	vm0 =	vmmov $0xffff;
	s10 =	simm.s32 $0x0;
	s11 =	smov.u32 s5;
	s9 =	sadd.s32 $0x1, s7  }
.LBB2_4:
0xc: {  	v2 =	vnsel vm1, $0x0, v2  }
0xd: {  	vm1 =	vgt.s32 v0, $0x0;
	v2 =	vmin.u32 v2, $0x4E1FF  }
0xe: {  	v0 =	vnsel vm1, $0x0, v0  }
0xf: {  	v0 =	vmin.u32 v0, $0x4E1FF  }
0x10: {  	[tilespmem:s18], [sflag:$0x1] =	stream.indirect_vreg.gather [hbm4b:s2+s10], $0x1, v1, vm0, $0x4038;
	[tilespmem:$0x7D00] =	vst v63  }
0x11: {  	(ifvalue) =	ssetifvalue $0x7FFFFFFF  }
0x12: {  	[tilespmem:s15], [sflag:$0x1] =	stream.indirect_vreg.gather [hbm4b:s2+s10], $0x1, v2, vm0, $0x4038;
	[tilespmem:$0x7D00] =	vst v63  }
0x13: {  	s29 =	sadd.s32 $0x10, s15;
	(ifvalue) =	ssetifvalue $0x7FFFFFFF  }
0x14: {  	[tilespmem:s29], [sflag:$0x1] =	stream.indirect_vreg.gather [hbm4b:s2+s10], $0x1, v0, vm0, $0x4038;
	[tilespmem:$0x7D00] =	vst v63  }
0x15: {  	_ =	swait.ge [sflag:s4], $0x1F40  }
0x16: {  	s30 =	sshrl.u32 s13, $0x3;
	[sflag:s4] =	ssyncset.done $0x0  }
0x17: {  	s31 =	sand.u32 $0x7, s13;
	s15 =	sadd.s32 s8, s30;
	[sflag:s4] =	ssyncadd.s32 $0xFFFFE0C0  }
0x18: {  	[hbm4b:s15+s31] =	stream.linear.scatter [tilespmem:s14], [sflag:$0x3], $0x1F40, $0x38;
	[tilespmem:$0x7D00] =	vst v63  }
.LBB2_5:
0x19: {  	s15 =	sadd.s32 $0x3E800, s11  }
0x1a: {  	p1 =	sgt.s32 s15, $0x4E1FF  }
0x1b: {  	s15 =	smov.u32 @p1 s5;
	p1 =	sne.s32 s12, s9  }
.Ltmp1:
0x1c: {  	p0 =	slt.u32 s12, $0x2;
	(pc) =	sbr.rel @!p1 .LBB2_6-.Ltmp1, $4  }
0x1d: {  	s14 =	simm.s32 @!p0 $0x3  }
0x1e: {  	_ =	swait.ge @!p0 [sflag:s14], $0x1F40  }
0x1f: {  	s16 =	sadd.s32 $0x1, s12;
	s13 =	smov.u32 s11;
	[sflag:s14] =	ssyncset.done @!p0 $0x0  }
0x20: {  	s12 =	smov.u32 s16;
	s11 =	smov.u32 s15;
	[sflag:s14] =	ssyncadd.s32 @!p0 $0xFFFFE0C0  }
.LBB2_1:
0x21: {  	p0 =	sge.u32 s12, s7  }
0x22: {  	s14 =	sxor.u32 @!p0 $0x1, s12  }
0x23: {  	s14 =	smul.u32 @!p0 $0x7D00, s14  }
0x24: {  	s31 =	sadd.s32 $0xFFFFFFFF, s12;
	s15 =	sshrl.u32 @!p0 s11, $0x3  }
0x25: {  	s16 =	sand.u32 @!p0 $0x7, s11;
	s15 =	sadd.s32 @!p0 s3, s15;
	s14 =	sshra.s32 @!p0 s14, $0x2  }
0x26: {  	[tilespmem:s14], [sflag:$0x2] =	stream.linear.gather @!p0 [hbm4b:s15+s16], $0x1F40, $0x38;
	[tilespmem:$0x7D00] =	vst v63  }
0x27: {  	p0 =	sge.u32 s31, s7  }
.Ltmp2:
0x28: {  	_ = 	snop;
	(pc) =	sbr.rel @p0 .LBB2_5-.Ltmp2, $1  }
0x29: {  	_ =	sdelay $0x3  }
0x2a: {  	s14 =	sand.u32 $0x1, s12  }
0x2b: {  	_ =	swait.ge [sflag:s6], $0x1F40;
	p0 =	seq.s32 s14, $0x1;
	s14 =	simm.s32 $0x1F40  }
0x2c: {  	[sflag:s6] =	ssyncset.done $0x0;
	s14 =	simm.s32 @!p0 $0x0  }
0x2d: {  	[sflag:s6] =	ssyncadd.s32 $0xFFFFE0C0;
	(ifvalue) =	ssetifvalue $0x7FFFFFFF;
	v0 =	vld.msk [tilespmem:s14+$0x0 ss:$0x1], $0xffff;
	_ =	sdelay $0x4  }
0x2e: {  	s15 =	sadd.s32 $0x10, s14;
	vm1 =	vgt.s32 v0, $0x0  }
0x2f: {  	v2 =	vld.msk [tilespmem:s15+$0x0 ss:$0x1], $0xffff;
	v1 =	vnsel vm1, $0x0, v0  }
0x30: {  	v1 =	vmin.u32 v1, $0x4E1FF;
	_ =	sdelay $0x2  }
0x31: {  	s17 =	simm.s32 $0x20;
	s14 =	sadd.s32 $0x3E80, s14;
	s16 =	sadd.s32 $0x10, s15  }
0x32: {  	s15 =	sadd.s32 $0x10, s14;
	s18 =	smov.u32 s14;
	v0 =	vld.msk [tilespmem:s16+$0x0 ss:$0x1], $0xffff;
	vm1 =	vgt.s32 v2, $0x0;
	(ifvalue) =	ssetifvalue $0x7FFFFFFF  }
.LBB2_3:
0x33: {  	[tilespmem:s18], [sflag:$0x1] =	stream.indirect_vreg.gather [hbm4b:s2+s10], $0x1, v1, vm0, $0x4038;
	[tilespmem:$0x7D00] =	vst v63  }
0x34: {  	s17 =	sadd.s32 $0x10, s17  }
0x35: {  	v2 =	vnsel vm1, $0x0, v2;
	p0 =	slt.u32 s17, $0x1F30  }
.Ltmp3:
0x36: {  	s18 =	smov.u32 s15;
	v1 =	vmin.u32 v2, $0x4E1FF;
	(pc) =	sbr.rel @p0 .LBB2_3-.Ltmp3, $3  }
0x37: {  	_ =	sdelay $0x1  }
0x38: {  	s16 =	sadd.s32 $0x10, s16  }
0x39: {  	vm1 =	vgt.s32 v0, $0x0;
	s15 =	sadd.s32 $0x10, s15;
	v2 =	vmov v0;
	(ifvalue) =	ssetifvalue $0x7FFFFFFF;
	v0 =	vld.msk [tilespmem:s16+$0x0 ss:$0x1], $0xffff  }
.Ltmp4:
0x3a: {  	_ = 	snop;
	(pc) =	sbr.rel .LBB2_4-.Ltmp4, $1  }
0x3b: {  	_ =	sdelay $0x3  }
.LBB2_6:
0x3c: {  	_ =	sfence.sel $0x180000  }
0x3d: {  	s2 =	simm.s32 $0x2;
	[bflag:$0x0] =	sbarrier.arrive $0xFFFF  }
0x3e: {  	s30 =	simm.s32 $0x3;
	[sflag:s2] =	ssyncpa.u1 $0x1  }
0x3f: {  	s31 =	simm.s32 $0x1;
	[sflag:s30] =	ssyncpa.u1 $0x1  }
0x40: {  	[sflag:s31] =	ssyncpa.u1 $0x1  }
0x41: {  	p0 =	sne.s32 s1, $0x0;
	_ =	strace $0x90000047  }
0x42: {  	s0 =	sadd.s32 @!p0 $0x100000, s0;
	[bflag:$0x2] =	sbarrier.arrive $0xFFFF  }
0x43: {  	[sflag:s0] =	ssyncadd.tile.s32 @!p0 $0x1;
	_ =	shalt  }
.Lfunc_end2:
_tile_overlayer_lowered:
.L_overlay_start_2:
0x44: {  	(tag) =	ssettag $0x2  }
0x45: {  	s0 =	rddreg [dreg:$0x0];
	s2 =	stileid.u32  }
0x46: {  	s1 =	rddreg [dreg:$0x1];
	p0 =	sne.s32 s2, $0x0  }
0x47: {  	s3 =	rddreg [dreg:$0x2];
	[bflag:$0x3] =	sbarrier.arrive $0xFFFF;
	s2 =	simm.s32 @!p0 $0x1C01  }
0x48: {  	[timem:s3], [sflag:s2] =	dma.local @!p0 [hbm:s0], s1  }
0x49: {  	s0 =	simm.s32 @!p0 $0x1  }
0x4a: {  	_ =	swait.ge @!p0 [sflag:s0], s1  }
0x4b: {  	s1 =	ssub.s32 @!p0 $0x0, s1;
	[sflag:s0] =	ssyncset.done @!p0 $0x0  }
0x4c: {  	[sflag:s0] =	ssyncadd.s32 @!p0 s1  }
0x4d: {  	[bflag:$0x3] =	sbarrier.arrive $0xFFFF  }
0x4e: {  	_ =	shalt  }

// kernel: gather_offload_async_start
scs
__scs_entry_jumppad:
0x0: {  	(pc) =	sbr.rel $0x88, $3  }
0x1: {  	(tag) =	ssettag $0x0;
	lr =	simm.s32 $0x1  }
0x2: {  	[smem:$0x3F98] =	sst lr;
	_ =	strace $0xD0000000  }
0x3: {  	_ = 	snop  }
0x4: {  	_ = 	snop  }
0x5: {  	_ = 	snop  }
0x6: {  	_ = 	snop  }
0x7: {  	_ = 	snop  }
__scs_overlays_trampoline_lowered:
0x8: {  	[smem:$0x3FA7] =	sst s0  }
0x9: {  	[smem:$0x3FA8] =	sst s1  }
0xa: {  	[smem:$0x3FA9] =	sst s2  }
0xb: {  	[smem:$0x3FAA] =	sst s3  }
0xc: {  	[smem:$0x3FAB] =	sst s4  }
0xd: {  	[smem:$0x3FAC] =	sst s5  }
0xe: {  	[smem:$0x3FAD] =	sst s6  }
0xf: {  	[smem:$0x3FAE] =	sst s7  }
0x10: {  	[smem:$0x3FAF] =	sst s8  }
0x11: {  	[smem:$0x3FB0] =	sst s9;
	s0 =	simm.s32 @!p0 $0x0  }
0x12: {  	s1 =	sld [smem:$0x3F96];
	s0 =	simm.s32 @p0 $0x1  }
0x13: {  	[smem:$0x3FB1] =	sst s0;
	s0 =	simm.s32 @!p1 $0x0  }
0x14: {  	s2 =	sld [smem:$0x3F95];
	s0 =	simm.s32 @p1 $0x1  }
0x15: {  	[smem:$0x3FB2] =	sst s0;
	s0 =	simm.s32 @!p2 $0x0  }
0x16: {  	s3 =	sld [smem:$0x3FDB];
	s0 =	simm.s32 @p2 $0x1  }
0x17: {  	s4 =	simm.s32 $0x1BF5;
	[smem:$0x3FB4] =	sst s0  }
0x18: {  	s0 =	sld [smem:$0x3F97];
	_ =	swait.ge [sflag:s4], $0x0  }
0x19: {  	s7 =	sld [smem:$0x3F98]  }
0x1a: {  	s8 =	sadd.s32 $0xFFFFE003, lr  }
0x1b: {  	s9 =	sadd.s32 $0xFFFFFEF7, lr;
	s5 =	simm.s32 $0xFFFFFFFF;
	p2 =	slt.u32 s8, $0xFFFFF086  }
0x1c: {  	p1 =	slt.u32 s9, $0xF7A;
	s5 =	simm.s32 @!p2 $0x0  }
0x1d: {  	s5 =	simm.s32 @p1 $0x1;
	p0 =	seq.s32 s7, s2  }
0x1e: {  	s7 =	smul.u32 @!p0 $0xF7A, s2;
	p2 =	seq.s32 @!p0 s5, $0x0  }
0x1f: {  	s9 =	smul.u32 $0xF7A, s1;
	s8 =	simm.s32 @!p0 $0x1BF5;
	p2 =	por !p2, p0  }
0x20: {  	[sflag:s8] =	ssyncset.s32 @!p0 $0xFFFFF086;
	s6 =	sadd.s32 @!p0 s3, s7;
	s7 =	simm.s32 @!p0 $0x108  }
0x21: {  	s3 =	sadd.s32 s3, s9;
	s6 =	sadd.s32 @!p0 $0x88, s6;
	s7 =	simm.s32 @p2 $0x1082  }
0x22: {  	[simem:s7], [sflag:s8] =	dma.local @!p0 [hbm:s6], $0xF7A  }
0x23: {  	s9 =	sor.u32 $0xD0000000, s2;
	s6 =	simm.s32 $0x108;
	_ =	swait.ge @!p0 [sflag:s8], $0x0  }
0x24: {  	s3 =	sadd.s32 $0x88, s3;
	s6 =	simm.s32 @!p1 $0x1082;
	[sflag:s4] =	ssyncset.s32 $0xFFFFF086  }
0x25: {  	[simem:s6], [sflag:s4] =	dma.local [hbm:s3], $0xF7A  }
0x26: {  	[smem:$0x3F98] =	sst s1;
	(tag) =	ssettag s2;
	_ =	strace s9  }
0x27: {  	s1 =	sld [smem:$0x3FA8]  }
0x28: {  	s2 =	sld [smem:$0x3FA9]  }
0x29: {  	s4 =	sld [smem:$0x3FAB]  }
0x2a: {  	p0 =	seq.s32 s5, $0x0;
	s5 =	sld [smem:$0x3FAC]  }
0x2b: {  	s6 =	sld [smem:$0x3FAD]  }
0x2c: {  	s7 =	sld [smem:$0x3FAE]  }
0x2d: {  	s3 =	simm.s32 $0x108;
	s8 =	sld [smem:$0x3FAF]  }
0x2e: {  	s3 =	simm.s32 @!p0 $0x1082;
	s9 =	sld [smem:$0x3FB0]  }
0x2f: {  	lr =	sadd.s32 s0, s3;
	s0 =	sld [smem:$0x3FA7]  }
0x30: {  	s3 =	sld [smem:$0x3FAA]  }
0x31: {  	[smem:$0x3FB3] =	sst s10  }
0x32: {  	s10 =	sld [smem:$0x3FB1];
	_ =	sdelay $0x3  }
0x33: {  	p0 =	seq.s32 s10, $0x1;
	s10 =	sld [smem:$0x3FB3];
	_ =	sdelay $0x3  }
0x34: {  	[smem:$0x3FB3] =	sst s10  }
0x35: {  	s10 =	sld [smem:$0x3FB2];
	_ =	sdelay $0x3  }
0x36: {  	p1 =	seq.s32 s10, $0x1;
	s10 =	sld [smem:$0x3FB3];
	_ =	sdelay $0x3  }
0x37: {  	[smem:$0x3FB3] =	sst s10  }
0x38: {  	s10 =	sld [smem:$0x3FB4]  }
0x39: {  	_ = 	snop;
	(pc) =	sbr.ind lr, $3  }
0x3a: {  	_ = 	snop  }
0x3b: {  	_ = 	snop  }
0x3c: {  	p2 =	seq.s32 s10, $0x1;
	s10 =	sld [smem:$0x3FB3]  }
0x3d: {  	_ =	shalt  }
0x3e: {  	_ =	shalt  }
0x3f: {  	_ =	shalt  }
0x40: {  	_ =	shalt  }
0x41: {  	_ =	shalt  }
0x42: {  	_ =	shalt  }
0x43: {  	_ =	shalt  }
0x44: {  	_ =	shalt  }
0x45: {  	_ =	shalt  }
0x46: {  	_ =	shalt  }
0x47: {  	_ =	shalt  }
0x48: {  	_ =	shalt  }
0x49: {  	_ =	shalt  }
0x4a: {  	_ =	shalt  }
0x4b: {  	_ =	shalt  }
0x4c: {  	_ =	shalt  }
0x4d: {  	_ =	shalt  }
0x4e: {  	_ =	shalt  }
0x4f: {  	_ =	shalt  }
0x50: {  	_ =	shalt  }
0x51: {  	_ =	shalt  }
0x52: {  	_ =	shalt  }
0x53: {  	_ =	shalt  }
0x54: {  	_ =	shalt  }
0x55: {  	_ =	shalt  }
0x56: {  	_ =	shalt  }
0x57: {  	_ =	shalt  }
0x58: {  	_ =	shalt  }
0x59: {  	_ =	shalt  }
0x5a: {  	_ =	shalt  }
0x5b: {  	_ =	shalt  }
0x5c: {  	_ =	shalt  }
0x5d: {  	_ =	shalt  }
0x5e: {  	_ =	shalt  }
0x5f: {  	_ =	shalt  }
0x60: {  	_ =	shalt  }
0x61: {  	_ =	shalt  }
0x62: {  	_ =	shalt  }
0x63: {  	_ =	shalt  }
0x64: {  	_ =	shalt  }
0x65: {  	_ =	shalt  }
0x66: {  	_ =	shalt  }
0x67: {  	_ =	shalt  }
0x68: {  	_ =	shalt  }
0x69: {  	_ =	shalt  }
0x6a: {  	_ =	shalt  }
0x6b: {  	_ =	shalt  }
0x6c: {  	_ =	shalt  }
0x6d: {  	_ =	shalt  }
0x6e: {  	_ =	shalt  }
0x6f: {  	_ =	shalt  }
0x70: {  	_ =	shalt  }
0x71: {  	_ =	shalt  }
0x72: {  	_ =	shalt  }
0x73: {  	_ =	shalt  }
0x74: {  	_ =	shalt  }
0x75: {  	_ =	shalt  }
0x76: {  	_ =	shalt  }
0x77: {  	_ =	shalt  }
0x78: {  	_ =	shalt  }
0x79: {  	_ =	shalt  }
0x7a: {  	_ =	shalt  }
0x7b: {  	_ =	shalt  }
0x7c: {  	_ =	shalt  }
0x7d: {  	_ =	shalt  }
0x7e: {  	_ =	shalt  }
0x7f: {  	_ =	shalt  }
0x80: {  	_ =	shalt  }
0x81: {  	_ =	shalt  }
0x82: {  	_ =	shalt  }
0x83: {  	_ =	shalt  }
0x84: {  	_ =	shalt  }
0x85: {  	_ =	shalt  }
0x86: {  	_ =	shalt  }
0x87: {  	_ =	shalt  }
.Lfunc_end0:
.L_simem_size_0:
called_computation_lowered:
.L_overlay_start_0:
0x88: {  	s2 =	sld [smem:$0x3FD9]  }
0x89: {  	s3 =	sld [smem:$0x3FFE];
	_ =	sdelay $0x1  }
0x8a: {  	s1 =	srdreg.scid  }
0x8b: {  	s0 =	sand.u32 $0x1, s1  }
0x8c: {  	s17 =	sshll.u32 s0, $0xA;
	s2 =	sadd.s32 s3, s2  }
0x8d: {  	s2 =	sadd.s32 s2, s17  }
0x8e: {  	[smem:$0x3FBF] =	sst s2  }
0x8f: {  	_ = 	snop  }
0x90: {  	(tm) =	ssettm $0x1  }
0x91: {  	s18 =	sld [smem:$0x3FFB];
	_ =	sdelay $0x3  }
0x92: {  	_ =	strace s18  }
0x93: {  	s2 =	sld [smem:$0x3FFC];
	_ =	sdelay $0x3  }
0x94: {  	_ =	strace s2  }
0x95: {  	s2 =	sld [smem:$0x3FFD];
	_ =	sdelay $0x3  }
0x96: {  	_ =	strace s2  }
0x97: {  	_ =	strace $0x8FFFFFFF  }
0x98: {  	s19 =	sld [smem:$0x3FDB];
	_ =	sdelay $0x1  }
0x99: {  	s20 =	simm.s32 $_scs_section_size  }
0x9a: {  	s4 =	simm.s32 $_size__tile_overlayer_lowered;
	s5 =	simm.s32 $_tile_overlayer_lowered  }
0x9b: {  	s6 =	simm.s32 $0x1BFF;
	s21 =	sshll.u32 s5, $0x1;
	s3 =	sadd.s32 s20, s19  }
0x9c: {  	s22 =	simm.s32 $0x0;
	s4 =	sshll.u32 s4, $0x1;
	s5 =	sadd.s32 s21, s3  }
0x9d: {  	[timem:s22], [sflag:s6] =	dma.local [hbm:s5], s4  }
0x9e: {  	_ =	swait.ge [sflag:s6], s4  }
0x9f: {  	s4 =	ssub.s32 $0x0, s4;
	[sflag:s6] =	ssyncset.done $0x0  }
0xa0: {  	[sflag:s6] =	ssyncadd.s32 s4;
	_ =	sdelay $0x1  }
0xa1: {  	s23 =	simm.s32 $0x1B8B  }
0xa2: {  	_ =	swait.ge [sflag:s23], $0x1  }
0xa3: {  	[sflag:s23] =	ssyncset.done $0x0  }
0xa4: {  	[sflag:s23] =	ssyncadd.s32 $0xFFFFFFFF  }
0xa5: {  	s4 =	sld [smem:$0x0]  }
0xa6: {  	s5 =	sand.u32 $0xFFFFFFFE, s1  }
0xa7: {  	p0 =	sne.s32 s1, s5  }
0xa8: {  	s5 =	sshll.u32 @p0 s5, $0xE  }
0xa9: {  	s5 =	sadd.s32 @p0 $0x11B8D, s5;
	s6 =	sshll.u32 @p0 s4, $0x11  }
0xaa: {  	s5 =	sor.u32 @p0 s6, s5  }
0xab: {  	[sflag:s5] =	ssyncadd.remote.s32 @p0 $0x1;
	_ =	sdelay $0x1  }
0xac: {  	s5 =	simm.s32 @p0 $0x1B8D  }
0xad: {  	_ =	swait.eq @p0 [sflag:s5], $0x1  }
0xae: {  	[sflag:s5] =	ssyncadd.s32 @p0 $0xFFFFFFFF  }
0xaf: {  	s6 =	sshll.u32 @!p0 s1, $0xE  }
0xb0: {  	s6 =	sor.u32 @!p0 $0x4000, s6;
	s5 =	simm.s32 @!p0 $0x1B8D  }
0xb1: {  	s4 =	sshll.u32 @!p0 s4, $0x11;
	s6 =	sadd.s32 @!p0 $0x11B8D, s6;
	_ =	swait.eq @!p0 [sflag:s5], $0x1  }
0xb2: {  	s4 =	sor.u32 @!p0 s4, s6;
	[sflag:s5] =	ssyncadd.s32 @!p0 $0xFFFFFFFF  }
0xb3: {  	s25 =	simm.s32 $0x1B8E;
	s24 =	sld [smem:$0x3FFE];
	[sflag:s4] =	ssyncadd.remote.s32 @!p0 $0x1  }
0xb4: {  	s26 =	simm.s32 $execute0_lowered;
	[smem:$0x3FD2] =	sst s25  }
0xb5: {  	s5 =	sshll.u32 s26, $0x1;
	_ =	strace $0x8000004C;
	[dreg:$0x1] =	wrdreg $0xFFFFFFFF  }
0xb6: {  	s28 =	simm.s32 $_size_execute0_lowered;
	s3 =	sadd.s32 s3, s5;
	[dreg:$0x0] =	wrdreg $0x0  }
0xb7: {  	s5 =	sshll.u32 s28, $0x1;
	[dreg:$0x2] =	wrdreg s3  }
0xb8: {  	[dreg:$0x3] =	wrdreg s5  }
0xb9: {  	[dreg:$0x4] =	wrdreg $0xC0  }
0xba: {  	_ =	task [dreg:s22], $0x5FFFF  }
0xbb: {  	[dreg:$0x1] =	wrdreg $0xFFFFFFFF  }
0xbc: {  	[dreg:$0x0] =	wrdreg $0x60  }
0xbd: {  	[dreg:$0x2] =	wrdreg s24  }
0xbe: {  	[dreg:$0x3] =	wrdreg $0x9  }
0xbf: {  	_ =	task.clear_ibuf [dreg:s22], $0x4FFFF;
	_ =	strace $0x9000004C  }
0xc0: {  	s29 =	simm.s32 $0x9;
	_ =	strace $0x8000004E  }
0xc1: {  	_ =	swait.ge [sflag:s29], $0x1  }
0xc2: {  	[sflag:s29] =	ssyncadd.s32 $0xFFFFFFFF  }
0xc3: {  	_ =	strace $0x9000004E  }
0xc4: {  	_ =	sfence  }
0xc5: {  	s30 =	sld [smem:$0x0];
	_ =	sdelay $0x2  }
0xc6: {  	s31 =	sshll.u32 s1, $0xD;
	s1 =	sshrl.u32 s1, $0x2  }
0xc7: {  	s4 =	sand.u32 $0x4000, s31;
	s1 =	sadd.s32 s1, s30  }
0xc8: {  	s0 =	sor.u32 s4, s0;
	s1 =	sshll.u32 s1, $0x11  }
0xc9: {  	s0 =	sor.u32 s1, s0  }
0xca: {  	s0 =	sadd.s32 $0x8F2B, s0  }
0xcb: {  	[sflag:s0] =	ssyncadd.remote.s32 $0x1  }
0xcc: {  	_ =	sfence.sel $0xFFFF  }
0xcd: {  	[dreg:$0x0] =	wrdreg $0xFFFFFFFF;
	(pc) =	sbr.abs _section_cstart, $3  }
0xce: {  	[dreg:$0x1] =	wrdreg $0xFFFFFFFF  }
0xcf: {  	_ =	task.clear_ibuf [dreg:s22], $0x2FFFF;
	_ =	strace $0x9FFFFFFF  }
0xd0: {  	(tm) =	ssettm $0x7FFFFFFF  }
0xd1: {  	_ =	shalt  }
tec
execute0_lowered:
.L_overlay_start_1:
0x0: {  	(tag) =	ssettag $0x1  }
0x1: {  	s8 =	rddreg [dreg:$0x0]  }
0x2: {  	s0 =	rddreg [dreg:$0x1];
	_ =	strace $0x8000004D;
	s1 =	stileid.u32  }
0x3: {  	s3 =	srdreg.scid;
	s4 =	simm.s32 $0x1;
	s7 =	simm.s32 $0x1  }
0x4: {  	s9 =	simm.s32 $0x1;
	s10 =	simm.s32 $0x3;
	s13 =	simm.s32 $0x0  }
0x5: {  	s12 =	simm.s32 $0x0;
	s5 =	sand.u32 $0x1, s3;
	s6 =	sshll.u32 s1, $0x1  }
0x6: {  	s2 =	sadd.s32 $0xC400, s8;
	s3 =	sadd.s32 $0x20000, s8;
	s5 =	sor.u32 s6, s5  }
.Ltmp0:
0x7: {  	[sflag:s4] =	ssyncpa.u1 $0x0;
	p0 =	slt.u32 s5, $0x9;
	(pc) =	sbr.rel .LBB2_1-.Ltmp0, $4  }
0x8: {  	s6 =	simm.s32 $0x2;
	s7 =	simm.s32 @!p0 $0x0;
	p0 =	sne.s32 s5, $0x8  }
0x9: {  	[sflag:s6] =	ssyncpa.u1 $0x0;
	s5 =	smul.u32 $0x1F40, s5;
	s9 =	simm.s32 @!p0 $0x0  }
0xa: {  	s8 =	sadd.s32 $0x29E00, s8;
	[sflag:s10] =	ssyncpa.u1 $0x0;
	s7 =	sadd.s32 s9, s7  }
0xb: {  	vm0 =	vmmov $0xffff;
	s10 =	simm.s32 $0x0;
	s11 =	smov.u32 s5;
	s9 =	sadd.s32 $0x1, s7  }
.LBB2_4:
0xc: {  	v2 =	vnsel vm1, $0x0, v2  }
0xd: {  	vm1 =	vgt.s32 v0, $0x0;
	v2 =	vmin.u32 v2, $0x4E1FF  }
0xe: {  	v0 =	vnsel vm1, $0x0, v0  }
0xf: {  	v0 =	vmin.u32 v0, $0x4E1FF  }
0x10: {  	[tilespmem:s18], [sflag:$0x1] =	stream.indirect_vreg.gather [hbm4b:s2+s10], $0x1, v1, vm0, $0x4038;
	[tilespmem:$0x7D00] =	vst v63  }
0x11: {  	(ifvalue) =	ssetifvalue $0x7FFFFFFF  }
0x12: {  	[tilespmem:s15], [sflag:$0x1] =	stream.indirect_vreg.gather [hbm4b:s2+s10], $0x1, v2, vm0, $0x4038;
	[tilespmem:$0x7D00] =	vst v63  }
0x13: {  	s29 =	sadd.s32 $0x10, s15;
	(ifvalue) =	ssetifvalue $0x7FFFFFFF  }
0x14: {  	[tilespmem:s29], [sflag:$0x1] =	stream.indirect_vreg.gather [hbm4b:s2+s10], $0x1, v0, vm0, $0x4038;
	[tilespmem:$0x7D00] =	vst v63  }
0x15: {  	_ =	swait.ge [sflag:s4], $0x1F40  }
0x16: {  	s30 =	sshrl.u32 s13, $0x3;
	[sflag:s4] =	ssyncset.done $0x0  }
0x17: {  	s31 =	sand.u32 $0x7, s13;
	s15 =	sadd.s32 s8, s30;
	[sflag:s4] =	ssyncadd.s32 $0xFFFFE0C0  }
0x18: {  	[hbm4b:s15+s31] =	stream.linear.scatter [tilespmem:s14], [sflag:$0x3], $0x1F40, $0x38;
	[tilespmem:$0x7D00] =	vst v63  }
.LBB2_5:
0x19: {  	s15 =	sadd.s32 $0x3E800, s11  }
0x1a: {  	p1 =	sgt.s32 s15, $0x4E1FF  }
0x1b: {  	s15 =	smov.u32 @p1 s5;
	p1 =	sne.s32 s12, s9  }
.Ltmp1:
0x1c: {  	p0 =	slt.u32 s12, $0x2;
	(pc) =	sbr.rel @!p1 .LBB2_6-.Ltmp1, $4  }
0x1d: {  	s14 =	simm.s32 @!p0 $0x3  }
0x1e: {  	_ =	swait.ge @!p0 [sflag:s14], $0x1F40  }
0x1f: {  	s16 =	sadd.s32 $0x1, s12;
	s13 =	smov.u32 s11;
	[sflag:s14] =	ssyncset.done @!p0 $0x0  }
0x20: {  	s12 =	smov.u32 s16;
	s11 =	smov.u32 s15;
	[sflag:s14] =	ssyncadd.s32 @!p0 $0xFFFFE0C0  }
.LBB2_1:
0x21: {  	p0 =	sge.u32 s12, s7  }
0x22: {  	s14 =	sxor.u32 @!p0 $0x1, s12  }
0x23: {  	s14 =	smul.u32 @!p0 $0x7D00, s14  }
0x24: {  	s31 =	sadd.s32 $0xFFFFFFFF, s12;
	s15 =	sshrl.u32 @!p0 s11, $0x3  }
0x25: {  	s16 =	sand.u32 @!p0 $0x7, s11;
	s15 =	sadd.s32 @!p0 s3, s15;
	s14 =	sshra.s32 @!p0 s14, $0x2  }
0x26: {  	[tilespmem:s14], [sflag:$0x2] =	stream.linear.gather @!p0 [hbm4b:s15+s16], $0x1F40, $0x38;
	[tilespmem:$0x7D00] =	vst v63  }
0x27: {  	p0 =	sge.u32 s31, s7  }
.Ltmp2:
0x28: {  	_ = 	snop;
	(pc) =	sbr.rel @p0 .LBB2_5-.Ltmp2, $1  }
0x29: {  	_ =	sdelay $0x3  }
0x2a: {  	s14 =	sand.u32 $0x1, s12  }
0x2b: {  	_ =	swait.ge [sflag:s6], $0x1F40;
	p0 =	seq.s32 s14, $0x1;
	s14 =	simm.s32 $0x1F40  }
0x2c: {  	[sflag:s6] =	ssyncset.done $0x0;
	s14 =	simm.s32 @!p0 $0x0  }
0x2d: {  	[sflag:s6] =	ssyncadd.s32 $0xFFFFE0C0;
	(ifvalue) =	ssetifvalue $0x7FFFFFFF;
	v0 =	vld.msk [tilespmem:s14+$0x0 ss:$0x1], $0xffff;
	_ =	sdelay $0x4  }
0x2e: {  	s15 =	sadd.s32 $0x10, s14;
	vm1 =	vgt.s32 v0, $0x0  }
0x2f: {  	v2 =	vld.msk [tilespmem:s15+$0x0 ss:$0x1], $0xffff;
	v1 =	vnsel vm1, $0x0, v0  }
0x30: {  	v1 =	vmin.u32 v1, $0x4E1FF;
	_ =	sdelay $0x2  }
0x31: {  	s17 =	simm.s32 $0x20;
	s14 =	sadd.s32 $0x3E80, s14;
	s16 =	sadd.s32 $0x10, s15  }
0x32: {  	s15 =	sadd.s32 $0x10, s14;
	s18 =	smov.u32 s14;
	v0 =	vld.msk [tilespmem:s16+$0x0 ss:$0x1], $0xffff;
	vm1 =	vgt.s32 v2, $0x0;
	(ifvalue) =	ssetifvalue $0x7FFFFFFF  }
.LBB2_3:
0x33: {  	[tilespmem:s18], [sflag:$0x1] =	stream.indirect_vreg.gather [hbm4b:s2+s10], $0x1, v1, vm0, $0x4038;
	[tilespmem:$0x7D00] =	vst v63  }
0x34: {  	s17 =	sadd.s32 $0x10, s17  }
0x35: {  	v2 =	vnsel vm1, $0x0, v2;
	p0 =	slt.u32 s17, $0x1F30  }
.Ltmp3:
0x36: {  	s18 =	smov.u32 s15;
	v1 =	vmin.u32 v2, $0x4E1FF;
	(pc) =	sbr.rel @p0 .LBB2_3-.Ltmp3, $3  }
0x37: {  	_ =	sdelay $0x1  }
0x38: {  	s16 =	sadd.s32 $0x10, s16  }
0x39: {  	vm1 =	vgt.s32 v0, $0x0;
	s15 =	sadd.s32 $0x10, s15;
	v2 =	vmov v0;
	(ifvalue) =	ssetifvalue $0x7FFFFFFF;
	v0 =	vld.msk [tilespmem:s16+$0x0 ss:$0x1], $0xffff  }
.Ltmp4:
0x3a: {  	_ = 	snop;
	(pc) =	sbr.rel .LBB2_4-.Ltmp4, $1  }
0x3b: {  	_ =	sdelay $0x3  }
.LBB2_6:
0x3c: {  	_ =	sfence.sel $0x180000  }
0x3d: {  	s2 =	simm.s32 $0x2;
	[bflag:$0x0] =	sbarrier.arrive $0xFFFF  }
0x3e: {  	s30 =	simm.s32 $0x3;
	[sflag:s2] =	ssyncpa.u1 $0x1  }
0x3f: {  	s31 =	simm.s32 $0x1;
	[sflag:s30] =	ssyncpa.u1 $0x1  }
0x40: {  	[sflag:s31] =	ssyncpa.u1 $0x1  }
0x41: {  	p0 =	sne.s32 s1, $0x0;
	_ =	strace $0x9000004D  }
0x42: {  	s0 =	sadd.s32 @!p0 $0x100000, s0;
	[bflag:$0x2] =	sbarrier.arrive $0xFFFF  }
0x43: {  	[sflag:s0] =	ssyncadd.tile.s32 @!p0 $0x1;
	_ =	shalt  }
.Lfunc_end2:
_tile_overlayer_lowered:
.L_overlay_start_2:
0x44: {  	(tag) =	ssettag $0x2  }
0x45: {  	s0 =	rddreg [dreg:$0x0];
	s2 =	stileid.u32  }
0x46: {  	s1 =	rddreg [dreg:$0x1];
	p0 =	sne.s32 s2, $0x0  }
0x47: {  	s3 =	rddreg [dreg:$0x2];
	[bflag:$0x3] =	sbarrier.arrive $0xFFFF;
	s2 =	simm.s32 @!p0 $0x1C01  }
0x48: {  	[timem:s3], [sflag:s2] =	dma.local @!p0 [hbm:s0], s1  }
0x49: {  	s0 =	simm.s32 @!p0 $0x1  }
0x4a: {  	_ =	swait.ge @!p0 [sflag:s0], s1  }
0x4b: {  	s1 =	ssub.s32 @!p0 $0x0, s1;
	[sflag:s0] =	ssyncset.done @!p0 $0x0  }
0x4c: {  	[sflag:s0] =	ssyncadd.s32 @!p0 s1  }
0x4d: {  	[bflag:$0x3] =	sbarrier.arrive $0xFFFF  }
0x4e: {  	_ =	shalt  }

// kernel: kernel.6.cloned.1.call-start
scs
__scs_entry_jumppad:
0x0: {  	(pc) =	sbr.rel $0x88, $3  }
0x1: {  	(tag) =	ssettag $0x0;
	lr =	simm.s32 $0x1  }
0x2: {  	[smem:$0x3F98] =	sst lr;
	_ =	strace $0xD0000000  }
0x3: {  	_ = 	snop  }
0x4: {  	_ = 	snop  }
0x5: {  	_ = 	snop  }
0x6: {  	_ = 	snop  }
0x7: {  	_ = 	snop  }
__scs_overlays_trampoline_lowered:
0x8: {  	[smem:$0x3FA7] =	sst s0  }
0x9: {  	[smem:$0x3FA8] =	sst s1  }
0xa: {  	[smem:$0x3FA9] =	sst s2  }
0xb: {  	[smem:$0x3FAA] =	sst s3  }
0xc: {  	[smem:$0x3FAB] =	sst s4  }
0xd: {  	[smem:$0x3FAC] =	sst s5  }
0xe: {  	[smem:$0x3FAD] =	sst s6  }
0xf: {  	[smem:$0x3FAE] =	sst s7  }
0x10: {  	[smem:$0x3FAF] =	sst s8  }
0x11: {  	[smem:$0x3FB0] =	sst s9;
	s0 =	simm.s32 @!p0 $0x0  }
0x12: {  	s1 =	sld [smem:$0x3F96];
	s0 =	simm.s32 @p0 $0x1  }
0x13: {  	[smem:$0x3FB1] =	sst s0;
	s0 =	simm.s32 @!p1 $0x0  }
0x14: {  	s2 =	sld [smem:$0x3F95];
	s0 =	simm.s32 @p1 $0x1  }
0x15: {  	[smem:$0x3FB2] =	sst s0;
	s0 =	simm.s32 @!p2 $0x0  }
0x16: {  	s3 =	sld [smem:$0x3FDB];
	s0 =	simm.s32 @p2 $0x1  }
0x17: {  	s4 =	simm.s32 $0x1BF5;
	[smem:$0x3FB4] =	sst s0  }
0x18: {  	s0 =	sld [smem:$0x3F97];
	_ =	swait.ge [sflag:s4], $0x0  }
0x19: {  	s7 =	sld [smem:$0x3F98]  }
0x1a: {  	s8 =	sadd.s32 $0xFFFFE003, lr  }
0x1b: {  	s9 =	sadd.s32 $0xFFFFFEF7, lr;
	s5 =	simm.s32 $0xFFFFFFFF;
	p2 =	slt.u32 s8, $0xFFFFF086  }
0x1c: {  	p1 =	slt.u32 s9, $0xF7A;
	s5 =	simm.s32 @!p2 $0x0  }
0x1d: {  	s5 =	simm.s32 @p1 $0x1;
	p0 =	seq.s32 s7, s2  }
0x1e: {  	s7 =	smul.u32 @!p0 $0xF7A, s2;
	p2 =	seq.s32 @!p0 s5, $0x0  }
0x1f: {  	s9 =	smul.u32 $0xF7A, s1;
	s8 =	simm.s32 @!p0 $0x1BF5;
	p2 =	por !p2, p0  }
0x20: {  	[sflag:s8] =	ssyncset.s32 @!p0 $0xFFFFF086;
	s6 =	sadd.s32 @!p0 s3, s7;
	s7 =	simm.s32 @!p0 $0x108  }
0x21: {  	s3 =	sadd.s32 s3, s9;
	s6 =	sadd.s32 @!p0 $0x88, s6;
	s7 =	simm.s32 @p2 $0x1082  }
0x22: {  	[simem:s7], [sflag:s8] =	dma.local @!p0 [hbm:s6], $0xF7A  }
0x23: {  	s9 =	sor.u32 $0xD0000000, s2;
	s6 =	simm.s32 $0x108;
	_ =	swait.ge @!p0 [sflag:s8], $0x0  }
0x24: {  	s3 =	sadd.s32 $0x88, s3;
	s6 =	simm.s32 @!p1 $0x1082;
	[sflag:s4] =	ssyncset.s32 $0xFFFFF086  }
0x25: {  	[simem:s6], [sflag:s4] =	dma.local [hbm:s3], $0xF7A  }
0x26: {  	[smem:$0x3F98] =	sst s1;
	(tag) =	ssettag s2;
	_ =	strace s9  }
0x27: {  	s1 =	sld [smem:$0x3FA8]  }
0x28: {  	s2 =	sld [smem:$0x3FA9]  }
0x29: {  	s4 =	sld [smem:$0x3FAB]  }
0x2a: {  	p0 =	seq.s32 s5, $0x0;
	s5 =	sld [smem:$0x3FAC]  }
0x2b: {  	s6 =	sld [smem:$0x3FAD]  }
0x2c: {  	s7 =	sld [smem:$0x3FAE]  }
0x2d: {  	s3 =	simm.s32 $0x108;
	s8 =	sld [smem:$0x3FAF]  }
0x2e: {  	s3 =	simm.s32 @!p0 $0x1082;
	s9 =	sld [smem:$0x3FB0]  }
0x2f: {  	lr =	sadd.s32 s0, s3;
	s0 =	sld [smem:$0x3FA7]  }
0x30: {  	s3 =	sld [smem:$0x3FAA]  }
0x31: {  	[smem:$0x3FB3] =	sst s10  }
0x32: {  	s10 =	sld [smem:$0x3FB1];
	_ =	sdelay $0x3  }
0x33: {  	p0 =	seq.s32 s10, $0x1;
	s10 =	sld [smem:$0x3FB3];
	_ =	sdelay $0x3  }
0x34: {  	[smem:$0x3FB3] =	sst s10  }
0x35: {  	s10 =	sld [smem:$0x3FB2];
	_ =	sdelay $0x3  }
0x36: {  	p1 =	seq.s32 s10, $0x1;
	s10 =	sld [smem:$0x3FB3];
	_ =	sdelay $0x3  }
0x37: {  	[smem:$0x3FB3] =	sst s10  }
0x38: {  	s10 =	sld [smem:$0x3FB4]  }
0x39: {  	_ = 	snop;
	(pc) =	sbr.ind lr, $3  }
0x3a: {  	_ = 	snop  }
0x3b: {  	_ = 	snop  }
0x3c: {  	p2 =	seq.s32 s10, $0x1;
	s10 =	sld [smem:$0x3FB3]  }
0x3d: {  	_ =	shalt  }
0x3e: {  	_ =	shalt  }
0x3f: {  	_ =	shalt  }
0x40: {  	_ =	shalt  }
0x41: {  	_ =	shalt  }
0x42: {  	_ =	shalt  }
0x43: {  	_ =	shalt  }
0x44: {  	_ =	shalt  }
0x45: {  	_ =	shalt  }
0x46: {  	_ =	shalt  }
0x47: {  	_ =	shalt  }
0x48: {  	_ =	shalt  }
0x49: {  	_ =	shalt  }
0x4a: {  	_ =	shalt  }
0x4b: {  	_ =	shalt  }
0x4c: {  	_ =	shalt  }
0x4d: {  	_ =	shalt  }
0x4e: {  	_ =	shalt  }
0x4f: {  	_ =	shalt  }
0x50: {  	_ =	shalt  }
0x51: {  	_ =	shalt  }
0x52: {  	_ =	shalt  }
0x53: {  	_ =	shalt  }
0x54: {  	_ =	shalt  }
0x55: {  	_ =	shalt  }
0x56: {  	_ =	shalt  }
0x57: {  	_ =	shalt  }
0x58: {  	_ =	shalt  }
0x59: {  	_ =	shalt  }
0x5a: {  	_ =	shalt  }
0x5b: {  	_ =	shalt  }
0x5c: {  	_ =	shalt  }
0x5d: {  	_ =	shalt  }
0x5e: {  	_ =	shalt  }
0x5f: {  	_ =	shalt  }
0x60: {  	_ =	shalt  }
0x61: {  	_ =	shalt  }
0x62: {  	_ =	shalt  }
0x63: {  	_ =	shalt  }
0x64: {  	_ =	shalt  }
0x65: {  	_ =	shalt  }
0x66: {  	_ =	shalt  }
0x67: {  	_ =	shalt  }
0x68: {  	_ =	shalt  }
0x69: {  	_ =	shalt  }
0x6a: {  	_ =	shalt  }
0x6b: {  	_ =	shalt  }
0x6c: {  	_ =	shalt  }
0x6d: {  	_ =	shalt  }
0x6e: {  	_ =	shalt  }
0x6f: {  	_ =	shalt  }
0x70: {  	_ =	shalt  }
0x71: {  	_ =	shalt  }
0x72: {  	_ =	shalt  }
0x73: {  	_ =	shalt  }
0x74: {  	_ =	shalt  }
0x75: {  	_ =	shalt  }
0x76: {  	_ =	shalt  }
0x77: {  	_ =	shalt  }
0x78: {  	_ =	shalt  }
0x79: {  	_ =	shalt  }
0x7a: {  	_ =	shalt  }
0x7b: {  	_ =	shalt  }
0x7c: {  	_ =	shalt  }
0x7d: {  	_ =	shalt  }
0x7e: {  	_ =	shalt  }
0x7f: {  	_ =	shalt  }
0x80: {  	_ =	shalt  }
0x81: {  	_ =	shalt  }
0x82: {  	_ =	shalt  }
0x83: {  	_ =	shalt  }
0x84: {  	_ =	shalt  }
0x85: {  	_ =	shalt  }
0x86: {  	_ =	shalt  }
0x87: {  	_ =	shalt  }
.Lfunc_end0:
.L_simem_size_0:
called_computation.3_lowered:
.L_overlay_start_0:
0x88: {  	s2 =	sld [smem:$0x3FD9]  }
0x89: {  	s3 =	sld [smem:$0x3FFE];
	_ =	sdelay $0x1  }
0x8a: {  	s1 =	srdreg.scid  }
0x8b: {  	s0 =	sand.u32 $0x1, s1  }
0x8c: {  	s17 =	sshll.u32 s0, $0xA;
	s2 =	sadd.s32 s3, s2  }
0x8d: {  	s2 =	sadd.s32 s2, s17  }
0x8e: {  	[smem:$0x3FBF] =	sst s2  }
0x8f: {  	_ = 	snop  }
0x90: {  	s2 =	sld [smem:$0x3FD0];
	(tm) =	ssettm $0x1  }
0x91: {  	s18 =	sld [smem:$0x3FFB];
	_ =	sdelay $0x3  }
0x92: {  	_ =	strace s18  }
0x93: {  	s3 =	sld [smem:$0x3FFC];
	_ =	sdelay $0x3  }
0x94: {  	_ =	strace s3  }
0x95: {  	s3 =	sld [smem:$0x3FFD];
	_ =	sdelay $0x3  }
0x96: {  	_ =	strace s3  }
0x97: {  	_ =	strace $0x8FFFFFFF  }
0x98: {  	s19 =	sld [smem:$0x3FDB];
	_ =	sdelay $0x1  }
0x99: {  	s4 =	simm.s32 $_scs_section_size  }
0x9a: {  	s5 =	simm.s32 $_size__tile_overlayer_lowered;
	s6 =	simm.s32 $_tile_overlayer_lowered  }
0x9b: {  	s22 =	simm.s32 $0x1BFF;
	s21 =	sshll.u32 s6, $0x1;
	s3 =	sadd.s32 s4, s19  }
0x9c: {  	s7 =	simm.s32 $0x0;
	s20 =	sshll.u32 s5, $0x1;
	s5 =	sadd.s32 s21, s3  }
0x9d: {  	[timem:s7], [sflag:s22] =	dma.local [hbm:s5], s20  }
0x9e: {  	_ =	swait.ge [sflag:s22], s20  }
0x9f: {  	s4 =	ssub.s32 $0x0, s20;
	[sflag:s22] =	ssyncset.done $0x0  }
0xa0: {  	[sflag:s22] =	ssyncadd.s32 s4;
	_ =	sdelay $0x1  }
0xa1: {  	s23 =	simm.s32 $0x1B8B  }
0xa2: {  	_ =	swait.ge [sflag:s23], $0x1  }
0xa3: {  	[sflag:s23] =	ssyncset.done $0x0  }
0xa4: {  	s25 =	simm.s32 $0x1B8E;
	s24 =	sld [smem:$0x3FFE];
	[sflag:s23] =	ssyncadd.s32 $0xFFFFFFFF  }
0xa5: {  	s26 =	simm.s32 $execute0_lowered;
	[smem:$0x3FD2] =	sst s25  }
0xa6: {  	s5 =	sshll.u32 s26, $0x1;
	_ =	strace $0x8000004F;
	[dreg:$0x1] =	wrdreg $0xFFFFFFFF  }
0xa7: {  	s28 =	simm.s32 $_size_execute0_lowered;
	s3 =	sadd.s32 s3, s5;
	[dreg:$0x0] =	wrdreg $0x0  }
0xa8: {  	s5 =	sshll.u32 s28, $0x1;
	[dreg:$0x2] =	wrdreg s3  }
0xa9: {  	[dreg:$0x3] =	wrdreg s5  }
0xaa: {  	[dreg:$0x4] =	wrdreg $0xC0  }
0xab: {  	_ =	task [dreg:s7], $0x5FFFF  }
0xac: {  	[dreg:$0x1] =	wrdreg $0xFFFFFFFF  }
0xad: {  	[dreg:$0x0] =	wrdreg $0x60  }
0xae: {  	[dreg:$0x2] =	wrdreg s2  }
0xaf: {  	[dreg:$0x3] =	wrdreg s24  }
0xb0: {  	[dreg:$0x4] =	wrdreg $0x0  }
0xb1: {  	[dreg:$0x5] =	wrdreg $0x9  }
0xb2: {  	_ =	task.clear_ibuf [dreg:s7], $0x6FFFF;
	_ =	strace $0x9000004F  }
0xb3: {  	s29 =	simm.s32 $0x9;
	_ =	strace $0x80000051  }
0xb4: {  	_ =	swait.ge [sflag:s29], $0x1  }
0xb5: {  	[sflag:s29] =	ssyncadd.s32 $0xFFFFFFFF  }
0xb6: {  	_ =	strace $0x90000051  }
0xb7: {  	_ =	sfence  }
0xb8: {  	s30 =	sld [smem:$0x0];
	_ =	sdelay $0x2  }
0xb9: {  	s31 =	sshll.u32 s1, $0xD;
	s1 =	sshrl.u32 s1, $0x2  }
0xba: {  	s3 =	sand.u32 $0x4000, s31;
	s1 =	sadd.s32 s1, s30  }
0xbb: {  	s0 =	sor.u32 s3, s0;
	s1 =	sshll.u32 s1, $0x11  }
0xbc: {  	s0 =	sor.u32 s1, s0  }
0xbd: {  	s0 =	sadd.s32 $0x8F2B, s0  }
0xbe: {  	[sflag:s0] =	ssyncadd.remote.s32 $0x1  }
0xbf: {  	_ =	sfence.sel $0xFFFF  }
0xc0: {  	[dreg:$0x0] =	wrdreg $0xFFFFFFFF;
	(pc) =	sbr.abs _section_cstart, $3  }
0xc1: {  	[dreg:$0x1] =	wrdreg $0xFFFFFFFF  }
0xc2: {  	_ =	task.clear_ibuf [dreg:s7], $0x2FFFF;
	_ =	strace $0x9FFFFFFF  }
0xc3: {  	(tm) =	ssettm $0x7FFFFFFF  }
tec
execute0_lowered:
.L_overlay_start_1:
0x0: {  	(tag) =	ssettag $0x1  }
0x1: {  	s1 =	rddreg [dreg:$0x0]  }
0x2: {  	s7 =	rddreg [dreg:$0x1]  }
0x3: {  	s3 =	rddreg [dreg:$0x2]  }
0x4: {  	s0 =	rddreg [dreg:$0x3];
	s4 =	simm.s32 $0x0;
	s2 =	stileid.u32  }
0x5: {  	s5 =	srdreg.scid;
	s16 =	simm.s32 $0x2;
	s17 =	simm.s32 $0x18180  }
0x6: {  	s18 =	simm.s32 $0x1A980;
	s19 =	simm.s32 $0x14000;
	s20 =	simm.s32 $0x14080  }
0x7: {  	s21 =	simm.s32 $0x80;
	s22 =	simm.s32 $0x14100;
	s6 =	smul.u32 $0x9E0, s2  }
0x8: {  	s23 =	simm.s32 $0x1;
	[smem:$0x7FF] =	sst s4;
	s24 =	smul.u32 $0x14000, s2  }
0x9: {  	s8 =	sand.u32 $0x1, s5;
	s5 =	sadd.s32 $0xCA00, s7;
	s26 =	smul.u32 $0x50000, s2  }
0xa: {  	s10 =	sshrl.u32 s2, $0x2;
	s11 =	sshll.u32 s2, $0x8;
	s9 =	smul.u32 $0x140000, s8  }
0xb: {  	s29 =	sshll.u32 s2, $0x6;
	_ =	strace $0x80000050;
	s10 =	smul.u32 $0x14000, s10  }
0xc: {  	s13 =	sshll.u32 s8, $0x7;
	s25 =	ssub.s32 $0x2, s8;
	s30 =	smul.u32 $0x4F0, s8  }
0xd: {  	s12 =	sadd.s32 s6, s7;
	s11 =	sor.u32 s13, s11;
	s6 =	sadd.s32 $0xC400, s7  }
0xe: {  	s14 =	sshrl.u32 s25, $0x1;
	s28 =	sshrl.u32 s26, $0x2;
	s26 =	simm.s32 $0x0  }
0xf: {  	s9 =	sadd.s32 s24, s9;
	s11 =	sand.u32 $0x380, s11;
	s15 =	sadd.s32 s28, s3  }
0x10: {  	s31 =	sadd.s32 s30, s12;
	s24 =	simm.s32 $0x18100;
	s9 =	sshrl.u32 s9, $0x3  }
0x11: {  	s10 =	sor.u32 s10, s11;
	s11 =	ssub.s32 s25, s14;
	s12 =	sadd.s32 $0x33C00, s31  }
0x12: {  	s13 =	sadd.s32 $0x3DA00, s31;
	s14 =	sadd.s32 $0x2600, s31;
	s15 =	sshrl.u32 s15, $0x3  }
0x13: {  	s25 =	simm.s32 $0x400;
	s9 =	sadd.s32 s9, s7;
	s10 =	sshrl.u32 s10, $0x3  }
0x14: {  	s11 =	smax.u32 s11, $0x1;
	s10 =	sadd.s32 s10, s7;
	s7 =	sor.u32 $0x1C02, s29  }
0x15: {  	v0 =	vimm.f32 $1.000000000e+00;
	s8 =	sadd.s32 $0x47800, s9;
	s9 =	sadd.s32 $0xF200, s10;
	s10 =	sadd.s32 $0x19200, s10  }
.LBB2_1:
0x16: {  	[spmem:s15], [sflag:s7] =	dma.local [hbm:s5], $0x2800  }
0x17: {  	_ =	swait.ge [sflag:s16], $0x2800  }
0x18: {  	[sflag:s16] =	ssyncset.done $0x0  }
0x19: {  	[sflag:s16] =	ssyncadd.s32 $0xFFFFD800  }
0x1a: {  	[tilespmem:s17], [sflag:$0x2] =	stream.linear.gather [hbm4b:s6+s4], $0x2800, $0x38;
	[tilespmem:$0x1D180] =	vst v63  }
0x1b: {  	_ =	swait.ge [sflag:s16], $0x2800  }
0x1c: {  	[sflag:s16] =	ssyncset.done $0x0  }
0x1d: {  	[sflag:s16] =	ssyncadd.s32 $0xFFFFD800  }
0x1e: {  	[tilespmem:s18], [sflag:$0x2] =	stream.linear.gather [hbm4b:s6+s4], $0x2800, $0x38;
	[tilespmem:$0x1D180] =	vst v63  }
0x1f: {  	_ =	swait.ge [sflag:s16], $0x2800  }
0x20: {  	[sflag:s16] =	ssyncset.done $0x0  }
0x21: {  	[sflag:s16] =	ssyncadd.s32 $0xFFFFD800  }
0x22: {  	s28 =	simm.s32 $0x0;
	[bflag:$0x0] =	sbarrier.arrive $0xFFFF  }
.LBB2_2:
0x23: {  	s29 =	sadd.s32 s28, s14  }
0x24: {  	[tilespmem:s19], [sflag:$0x2] =	stream.linear.gather [hbm4b:s29+s4], $0x80, $0x38;
	[tilespmem:$0x1D180] =	vst v63  }
0x25: {  	_ =	swait.ge [sflag:s16], $0x80  }
0x26: {  	[sflag:s16] =	ssyncset.done $0x0  }
0x27: {  	s30 =	sadd.s32 s28, s13;
	[sflag:s16] =	ssyncadd.s32 $0xFFFFFF80  }
0x28: {  	[tilespmem:s20], [sflag:$0x2] =	stream.linear.gather [hbm4b:s30+s4], $0x80, $0x38;
	[tilespmem:$0x1D180] =	vst v63  }
0x29: {  	_ =	swait.ge [sflag:s16], $0x80  }
0x2a: {  	[sflag:s16] =	ssyncset.done $0x0  }
0x2b: {  	[sflag:s16] =	ssyncadd.s32 $0xFFFFFF80  }
0x2c: {  	[tilespmem:s22], [sflag:$0x1] =	stream.indirect.gather [hbm4b:s1+s21], $0x80, s19, s21, $0xb8;
	[tilespmem:$0x1D180] =	vst v63  }
0x2d: {  	_ =	swait.ge [sflag:s23], $0x4000  }
0x2e: {  	[sflag:s23] =	ssyncset.done $0x0  }
0x2f: {  	[sflag:s23] =	ssyncadd.s32 $0xFFFFC000  }
0x30: {  	[spmem:s3] =	stream.indirect.scatter.add.f32 [tilespmem:s22], [sflag:$0x2], $0x80, s20, s21, $0xb8;
	[tilespmem:$0x1D180] =	vst v63  }
0x31: {  	_ =	swait.ge [sflag:s16], $0x4000  }
0x32: {  	[sflag:s16] =	ssyncset.done $0x0  }
0x33: {  	s31 =	sadd.s32 s28, s12;
	[sflag:s16] =	ssyncadd.s32 $0xFFFFC000  }
0x34: {  	[tilespmem:s24], [sflag:$0x2] =	stream.linear.gather [hbm4b:s31+s4], $0x80, $0x38;
	[tilespmem:$0x1D180] =	vst v63  }
0x35: {  	_ =	swait.ge [sflag:s16], $0x80  }
0x36: {  	[sflag:s16] =	ssyncset.done $0x0  }
0x37: {  	[sflag:s16] =	ssyncadd.s32 $0xFFFFFF80  }
0x38: {  	v1 =	vld [tilespmem:$0x14080];
	_ =	sdelay $0x7  }
0x39: {  	[tilespmem:v1+s17+$0x0] =	vst.idx.add.f32.msk $0xffff, v0  }
0x3a: {  	v2 =	vld [tilespmem:$0x18100];
	_ =	sdelay $0x4  }
0x3b: {  	[tilespmem:v1+s18+$0x0] =	vst.idx.add.f32.msk $0xffff, v2  }
0x3c: {  	v1 =	vld [tilespmem:$0x14090];
	_ =	sdelay $0x7  }
0x3d: {  	[tilespmem:v1+s17+$0x0] =	vst.idx.add.f32.msk $0xffff, v0  }
0x3e: {  	v2 =	vld [tilespmem:$0x18110];
	_ =	sdelay $0x4  }
0x3f: {  	[tilespmem:v1+s18+$0x0] =	vst.idx.add.f32.msk $0xffff, v2  }
0x40: {  	v1 =	vld [tilespmem:$0x140A0];
	_ =	sdelay $0x7  }
0x41: {  	[tilespmem:v1+s17+$0x0] =	vst.idx.add.f32.msk $0xffff, v0  }
0x42: {  	v2 =	vld [tilespmem:$0x18120];
	_ =	sdelay $0x4  }
0x43: {  	[tilespmem:v1+s18+$0x0] =	vst.idx.add.f32.msk $0xffff, v2  }
0x44: {  	v1 =	vld [tilespmem:$0x140B0];
	_ =	sdelay $0x7  }
0x45: {  	[tilespmem:v1+s17+$0x0] =	vst.idx.add.f32.msk $0xffff, v0  }
0x46: {  	v2 =	vld [tilespmem:$0x18130];
	_ =	sdelay $0x4  }
0x47: {  	[tilespmem:v1+s18+$0x0] =	vst.idx.add.f32.msk $0xffff, v2  }
0x48: {  	v1 =	vld [tilespmem:$0x140C0];
	_ =	sdelay $0x7  }
0x49: {  	[tilespmem:v1+s17+$0x0] =	vst.idx.add.f32.msk $0xffff, v0  }
0x4a: {  	v2 =	vld [tilespmem:$0x18140];
	_ =	sdelay $0x4  }
0x4b: {  	[tilespmem:v1+s18+$0x0] =	vst.idx.add.f32.msk $0xffff, v2  }
0x4c: {  	v1 =	vld [tilespmem:$0x140D0];
	_ =	sdelay $0x7  }
0x4d: {  	[tilespmem:v1+s17+$0x0] =	vst.idx.add.f32.msk $0xffff, v0  }
0x4e: {  	v2 =	vld [tilespmem:$0x18150];
	_ =	sdelay $0x4  }
0x4f: {  	[tilespmem:v1+s18+$0x0] =	vst.idx.add.f32.msk $0xffff, v2  }
0x50: {  	v1 =	vld [tilespmem:$0x140E0];
	_ =	sdelay $0x7  }
0x51: {  	[tilespmem:v1+s17+$0x0] =	vst.idx.add.f32.msk $0xffff, v0  }
0x52: {  	v2 =	vld [tilespmem:$0x18160];
	_ =	sdelay $0x4  }
0x53: {  	[tilespmem:v1+s18+$0x0] =	vst.idx.add.f32.msk $0xffff, v2  }
0x54: {  	v1 =	vld [tilespmem:$0x140F0];
	_ =	sdelay $0x7  }
0x55: {  	[tilespmem:v1+s17+$0x0] =	vst.idx.add.f32.msk $0xffff, v0  }
0x56: {  	p0 =	sne.s32 s28, $0x4E0;
	v2 =	vld [tilespmem:$0x18170]  }
.Ltmp0:
0x57: {  	_ = 	snop;
	(pc) =	sbr.rel @p0 .LBB2_2-.Ltmp0, $2  }
0x58: {  	_ =	sdelay $0x2  }
0x59: {  	s28 =	sadd.s32 $0x10, s28;
	[tilespmem:v1+s18+$0x0] =	vst.idx.add.f32.msk $0xffff, v2  }
0x5a: {  	[bflag:$0x0] =	sbarrier.arrive $0xFFFF  }
0x5b: {  	[hbm:s8], [sflag:s7] =	dma.local [spmem:s15], $0x2800  }
0x5c: {  	_ =	swait.ge [sflag:s16], $0x2800  }
0x5d: {  	[sflag:s16] =	ssyncset.done $0x0  }
0x5e: {  	[sflag:s16] =	ssyncadd.s32 $0xFFFFD800  }
0x5f: {  	[hbm4b:s9+s21] =	stream.strided.scatter [tilespmem:s17], [sflag:$0x2], $0x2800, s25, s21, $0x38;
	[tilespmem:$0x1D180] =	vst v63  }
0x60: {  	s26 =	sadd.s32 $0x1, s26;
	_ =	swait.ge [sflag:s16], $0x2800  }
0x61: {  	p0 =	sne.s32 s26, s11;
	[sflag:s16] =	ssyncset.done $0x0  }
.Ltmp1:
0x62: {  	[sflag:s16] =	ssyncadd.s32 $0xFFFFD800;
	(pc) =	sbr.rel @p0 .LBB2_1-.Ltmp1, $4  }
0x63: {  	[hbm4b:s10+s21] =	stream.strided.scatter [tilespmem:s18], [sflag:$0x2], $0x2800, s25, s21, $0x38;
	[tilespmem:$0x1D180] =	vst v63  }
0x64: {  	_ =	swait.ge [sflag:s16], $0x2800  }
0x65: {  	[sflag:s16] =	ssyncset.done $0x0  }
0x66: {  	[sflag:s16] =	ssyncadd.s32 $0xFFFFD800  }
0x67: {  	_ =	sfence.sel $0x180000  }
0x68: {  	[bflag:$0x0] =	sbarrier.arrive $0xFFFF  }
0x69: {  	p0 =	sne.s32 s2, $0x0;
	_ =	strace $0x90000050  }
0x6a: {  	s0 =	sadd.s32 @!p0 $0x100000, s0;
	[bflag:$0x2] =	sbarrier.arrive $0xFFFF  }
0x6b: {  	[sflag:s0] =	ssyncadd.tile.s32 @!p0 $0x1;
	_ =	shalt  }
.Lfunc_end2:
_tile_overlayer_lowered:
.L_overlay_start_2:
0x6c: {  	(tag) =	ssettag $0x2  }
0x6d: {  	s0 =	rddreg [dreg:$0x0];
	s2 =	stileid.u32  }
0x6e: {  	s1 =	rddreg [dreg:$0x1];
	p0 =	sne.s32 s2, $0x0  }
0x6f: {  	s3 =	rddreg [dreg:$0x2];
	[bflag:$0x3] =	sbarrier.arrive $0xFFFF;
	s2 =	simm.s32 @!p0 $0x1C02  }
0x70: {  	[timem:s3], [sflag:s2] =	dma.local @!p0 [hbm:s0], s1  }
0x71: {  	s0 =	simm.s32 @!p0 $0x2  }
0x72: {  	_ =	swait.ge @!p0 [sflag:s0], s1  }
0x73: {  	s1 =	ssub.s32 @!p0 $0x0, s1;
	[sflag:s0] =	ssyncset.done @!p0 $0x0  }
0x74: {  	[sflag:s0] =	ssyncadd.s32 @!p0 s1  }
0x75: {  	[bflag:$0x3] =	sbarrier.arrive $0xFFFF  }
0x76: {  	_ =	shalt  }

// kernel: kernel.9.cloned.1.call-start
scs
__scs_entry_jumppad:
0x0: {  	(pc) =	sbr.rel $0x88, $3  }
0x1: {  	(tag) =	ssettag $0x0;
	lr =	simm.s32 $0x1  }
0x2: {  	[smem:$0x3F98] =	sst lr;
	_ =	strace $0xD0000000  }
0x3: {  	_ = 	snop  }
0x4: {  	_ = 	snop  }
0x5: {  	_ = 	snop  }
0x6: {  	_ = 	snop  }
0x7: {  	_ = 	snop  }
__scs_overlays_trampoline_lowered:
0x8: {  	[smem:$0x3FA7] =	sst s0  }
0x9: {  	[smem:$0x3FA8] =	sst s1  }
0xa: {  	[smem:$0x3FA9] =	sst s2  }
0xb: {  	[smem:$0x3FAA] =	sst s3  }
0xc: {  	[smem:$0x3FAB] =	sst s4  }
0xd: {  	[smem:$0x3FAC] =	sst s5  }
0xe: {  	[smem:$0x3FAD] =	sst s6  }
0xf: {  	[smem:$0x3FAE] =	sst s7  }
0x10: {  	[smem:$0x3FAF] =	sst s8  }
0x11: {  	[smem:$0x3FB0] =	sst s9;
	s0 =	simm.s32 @!p0 $0x0  }
0x12: {  	s1 =	sld [smem:$0x3F96];
	s0 =	simm.s32 @p0 $0x1  }
0x13: {  	[smem:$0x3FB1] =	sst s0;
	s0 =	simm.s32 @!p1 $0x0  }
0x14: {  	s2 =	sld [smem:$0x3F95];
	s0 =	simm.s32 @p1 $0x1  }
0x15: {  	[smem:$0x3FB2] =	sst s0;
	s0 =	simm.s32 @!p2 $0x0  }
0x16: {  	s3 =	sld [smem:$0x3FDB];
	s0 =	simm.s32 @p2 $0x1  }
0x17: {  	s4 =	simm.s32 $0x1BF5;
	[smem:$0x3FB4] =	sst s0  }
0x18: {  	s0 =	sld [smem:$0x3F97];
	_ =	swait.ge [sflag:s4], $0x0  }
0x19: {  	s7 =	sld [smem:$0x3F98]  }
0x1a: {  	s8 =	sadd.s32 $0xFFFFE003, lr  }
0x1b: {  	s9 =	sadd.s32 $0xFFFFFEF7, lr;
	s5 =	simm.s32 $0xFFFFFFFF;
	p2 =	slt.u32 s8, $0xFFFFF086  }
0x1c: {  	p1 =	slt.u32 s9, $0xF7A;
	s5 =	simm.s32 @!p2 $0x0  }
0x1d: {  	s5 =	simm.s32 @p1 $0x1;
	p0 =	seq.s32 s7, s2  }
0x1e: {  	s7 =	smul.u32 @!p0 $0xF7A, s2;
	p2 =	seq.s32 @!p0 s5, $0x0  }
0x1f: {  	s9 =	smul.u32 $0xF7A, s1;
	s8 =	simm.s32 @!p0 $0x1BF5;
	p2 =	por !p2, p0  }
0x20: {  	[sflag:s8] =	ssyncset.s32 @!p0 $0xFFFFF086;
	s6 =	sadd.s32 @!p0 s3, s7;
	s7 =	simm.s32 @!p0 $0x108  }
0x21: {  	s3 =	sadd.s32 s3, s9;
	s6 =	sadd.s32 @!p0 $0x88, s6;
	s7 =	simm.s32 @p2 $0x1082  }
0x22: {  	[simem:s7], [sflag:s8] =	dma.local @!p0 [hbm:s6], $0xF7A  }
0x23: {  	s9 =	sor.u32 $0xD0000000, s2;
	s6 =	simm.s32 $0x108;
	_ =	swait.ge @!p0 [sflag:s8], $0x0  }
0x24: {  	s3 =	sadd.s32 $0x88, s3;
	s6 =	simm.s32 @!p1 $0x1082;
	[sflag:s4] =	ssyncset.s32 $0xFFFFF086  }
0x25: {  	[simem:s6], [sflag:s4] =	dma.local [hbm:s3], $0xF7A  }
0x26: {  	[smem:$0x3F98] =	sst s1;
	(tag) =	ssettag s2;
	_ =	strace s9  }
0x27: {  	s1 =	sld [smem:$0x3FA8]  }
0x28: {  	s2 =	sld [smem:$0x3FA9]  }
0x29: {  	s4 =	sld [smem:$0x3FAB]  }
0x2a: {  	p0 =	seq.s32 s5, $0x0;
	s5 =	sld [smem:$0x3FAC]  }
0x2b: {  	s6 =	sld [smem:$0x3FAD]  }
0x2c: {  	s7 =	sld [smem:$0x3FAE]  }
0x2d: {  	s3 =	simm.s32 $0x108;
	s8 =	sld [smem:$0x3FAF]  }
0x2e: {  	s3 =	simm.s32 @!p0 $0x1082;
	s9 =	sld [smem:$0x3FB0]  }
0x2f: {  	lr =	sadd.s32 s0, s3;
	s0 =	sld [smem:$0x3FA7]  }
0x30: {  	s3 =	sld [smem:$0x3FAA]  }
0x31: {  	[smem:$0x3FB3] =	sst s10  }
0x32: {  	s10 =	sld [smem:$0x3FB1];
	_ =	sdelay $0x3  }
0x33: {  	p0 =	seq.s32 s10, $0x1;
	s10 =	sld [smem:$0x3FB3];
	_ =	sdelay $0x3  }
0x34: {  	[smem:$0x3FB3] =	sst s10  }
0x35: {  	s10 =	sld [smem:$0x3FB2];
	_ =	sdelay $0x3  }
0x36: {  	p1 =	seq.s32 s10, $0x1;
	s10 =	sld [smem:$0x3FB3];
	_ =	sdelay $0x3  }
0x37: {  	[smem:$0x3FB3] =	sst s10  }
0x38: {  	s10 =	sld [smem:$0x3FB4]  }
0x39: {  	_ = 	snop;
	(pc) =	sbr.ind lr, $3  }
0x3a: {  	_ = 	snop  }
0x3b: {  	_ = 	snop  }
0x3c: {  	p2 =	seq.s32 s10, $0x1;
	s10 =	sld [smem:$0x3FB3]  }
0x3d: {  	_ =	shalt  }
0x3e: {  	_ =	shalt  }
0x3f: {  	_ =	shalt  }
0x40: {  	_ =	shalt  }
0x41: {  	_ =	shalt  }
0x42: {  	_ =	shalt  }
0x43: {  	_ =	shalt  }
0x44: {  	_ =	shalt  }
0x45: {  	_ =	shalt  }
0x46: {  	_ =	shalt  }
0x47: {  	_ =	shalt  }
0x48: {  	_ =	shalt  }
0x49: {  	_ =	shalt  }
0x4a: {  	_ =	shalt  }
0x4b: {  	_ =	shalt  }
0x4c: {  	_ =	shalt  }
0x4d: {  	_ =	shalt  }
0x4e: {  	_ =	shalt  }
0x4f: {  	_ =	shalt  }
0x50: {  	_ =	shalt  }
0x51: {  	_ =	shalt  }
0x52: {  	_ =	shalt  }
0x53: {  	_ =	shalt  }
0x54: {  	_ =	shalt  }
0x55: {  	_ =	shalt  }
0x56: {  	_ =	shalt  }
0x57: {  	_ =	shalt  }
0x58: {  	_ =	shalt  }
0x59: {  	_ =	shalt  }
0x5a: {  	_ =	shalt  }
0x5b: {  	_ =	shalt  }
0x5c: {  	_ =	shalt  }
0x5d: {  	_ =	shalt  }
0x5e: {  	_ =	shalt  }
0x5f: {  	_ =	shalt  }
0x60: {  	_ =	shalt  }
0x61: {  	_ =	shalt  }
0x62: {  	_ =	shalt  }
0x63: {  	_ =	shalt  }
0x64: {  	_ =	shalt  }
0x65: {  	_ =	shalt  }
0x66: {  	_ =	shalt  }
0x67: {  	_ =	shalt  }
0x68: {  	_ =	shalt  }
0x69: {  	_ =	shalt  }
0x6a: {  	_ =	shalt  }
0x6b: {  	_ =	shalt  }
0x6c: {  	_ =	shalt  }
0x6d: {  	_ =	shalt  }
0x6e: {  	_ =	shalt  }
0x6f: {  	_ =	shalt  }
0x70: {  	_ =	shalt  }
0x71: {  	_ =	shalt  }
0x72: {  	_ =	shalt  }
0x73: {  	_ =	shalt  }
0x74: {  	_ =	shalt  }
0x75: {  	_ =	shalt  }
0x76: {  	_ =	shalt  }
0x77: {  	_ =	shalt  }
0x78: {  	_ =	shalt  }
0x79: {  	_ =	shalt  }
0x7a: {  	_ =	shalt  }
0x7b: {  	_ =	shalt  }
0x7c: {  	_ =	shalt  }
0x7d: {  	_ =	shalt  }
0x7e: {  	_ =	shalt  }
0x7f: {  	_ =	shalt  }
0x80: {  	_ =	shalt  }
0x81: {  	_ =	shalt  }
0x82: {  	_ =	shalt  }
0x83: {  	_ =	shalt  }
0x84: {  	_ =	shalt  }
0x85: {  	_ =	shalt  }
0x86: {  	_ =	shalt  }
0x87: {  	_ =	shalt  }
.Lfunc_end0:
.L_simem_size_0:
called_computation.4_lowered:
.L_overlay_start_0:
0x88: {  	s2 =	sld [smem:$0x3FD9]  }
0x89: {  	s3 =	sld [smem:$0x3FFE];
	_ =	sdelay $0x1  }
0x8a: {  	s1 =	srdreg.scid  }
0x8b: {  	s0 =	sand.u32 $0x1, s1  }
0x8c: {  	s17 =	sshll.u32 s0, $0xA;
	s2 =	sadd.s32 s3, s2  }
0x8d: {  	s2 =	sadd.s32 s2, s17  }
0x8e: {  	[smem:$0x3FBF] =	sst s2  }
0x8f: {  	_ = 	snop  }
0x90: {  	s2 =	sld [smem:$0x3FD0];
	(tm) =	ssettm $0x1  }
0x91: {  	s18 =	sld [smem:$0x3FFB];
	_ =	sdelay $0x3  }
0x92: {  	_ =	strace s18  }
0x93: {  	s3 =	sld [smem:$0x3FFC];
	_ =	sdelay $0x3  }
0x94: {  	_ =	strace s3  }
0x95: {  	s3 =	sld [smem:$0x3FFD];
	_ =	sdelay $0x3  }
0x96: {  	_ =	strace s3  }
0x97: {  	_ =	strace $0x8FFFFFFF  }
0x98: {  	s19 =	sld [smem:$0x3FDB];
	_ =	sdelay $0x1  }
0x99: {  	s4 =	simm.s32 $_scs_section_size  }
0x9a: {  	s5 =	simm.s32 $_size__tile_overlayer_lowered;
	s6 =	simm.s32 $_tile_overlayer_lowered  }
0x9b: {  	s22 =	simm.s32 $0x1BFF;
	s21 =	sshll.u32 s6, $0x1;
	s3 =	sadd.s32 s4, s19  }
0x9c: {  	s7 =	simm.s32 $0x0;
	s20 =	sshll.u32 s5, $0x1;
	s5 =	sadd.s32 s21, s3  }
0x9d: {  	[timem:s7], [sflag:s22] =	dma.local [hbm:s5], s20  }
0x9e: {  	_ =	swait.ge [sflag:s22], s20  }
0x9f: {  	s4 =	ssub.s32 $0x0, s20;
	[sflag:s22] =	ssyncset.done $0x0  }
0xa0: {  	[sflag:s22] =	ssyncadd.s32 s4;
	_ =	sdelay $0x1  }
0xa1: {  	s23 =	simm.s32 $0x1B8B  }
0xa2: {  	_ =	swait.ge [sflag:s23], $0x1  }
0xa3: {  	[sflag:s23] =	ssyncset.done $0x0  }
0xa4: {  	s25 =	simm.s32 $0x1B8E;
	s24 =	sld [smem:$0x3FFE];
	[sflag:s23] =	ssyncadd.s32 $0xFFFFFFFF  }
0xa5: {  	s26 =	simm.s32 $execute0_lowered;
	[smem:$0x3FD2] =	sst s25  }
0xa6: {  	s5 =	sshll.u32 s26, $0x1;
	_ =	strace $0x80000052;
	[dreg:$0x1] =	wrdreg $0xFFFFFFFF  }
0xa7: {  	s28 =	simm.s32 $_size_execute0_lowered;
	s3 =	sadd.s32 s3, s5;
	[dreg:$0x0] =	wrdreg $0x0  }
0xa8: {  	s5 =	sshll.u32 s28, $0x1;
	[dreg:$0x2] =	wrdreg s3  }
0xa9: {  	[dreg:$0x3] =	wrdreg s5  }
0xaa: {  	[dreg:$0x4] =	wrdreg $0xC0  }
0xab: {  	_ =	task [dreg:s7], $0x5FFFF  }
0xac: {  	[dreg:$0x1] =	wrdreg $0xFFFFFFFF  }
0xad: {  	[dreg:$0x0] =	wrdreg $0x60  }
0xae: {  	[dreg:$0x2] =	wrdreg s2  }
0xaf: {  	[dreg:$0x3] =	wrdreg s24  }
0xb0: {  	[dreg:$0x4] =	wrdreg $0x0  }
0xb1: {  	[dreg:$0x5] =	wrdreg $0x9  }
0xb2: {  	_ =	task.clear_ibuf [dreg:s7], $0x6FFFF;
	_ =	strace $0x90000052  }
0xb3: {  	s29 =	simm.s32 $0x9;
	_ =	strace $0x80000054  }
0xb4: {  	_ =	swait.ge [sflag:s29], $0x1  }
0xb5: {  	[sflag:s29] =	ssyncadd.s32 $0xFFFFFFFF  }
0xb6: {  	_ =	strace $0x90000054  }
0xb7: {  	_ =	sfence  }
0xb8: {  	s30 =	sld [smem:$0x0];
	_ =	sdelay $0x2  }
0xb9: {  	s31 =	sshll.u32 s1, $0xD;
	s1 =	sshrl.u32 s1, $0x2  }
0xba: {  	s3 =	sand.u32 $0x4000, s31;
	s1 =	sadd.s32 s1, s30  }
0xbb: {  	s0 =	sor.u32 s3, s0;
	s1 =	sshll.u32 s1, $0x11  }
0xbc: {  	s0 =	sor.u32 s1, s0  }
0xbd: {  	s0 =	sadd.s32 $0x8F2B, s0  }
0xbe: {  	[sflag:s0] =	ssyncadd.remote.s32 $0x1  }
0xbf: {  	_ =	sfence.sel $0xFFFF  }
0xc0: {  	[dreg:$0x0] =	wrdreg $0xFFFFFFFF;
	(pc) =	sbr.abs _section_cstart, $3  }
0xc1: {  	[dreg:$0x1] =	wrdreg $0xFFFFFFFF  }
0xc2: {  	_ =	task.clear_ibuf [dreg:s7], $0x2FFFF;
	_ =	strace $0x9FFFFFFF  }
0xc3: {  	(tm) =	ssettm $0x7FFFFFFF  }
tec
execute0_lowered:
.L_overlay_start_1:
0x0: {  	(tag) =	ssettag $0x1  }
0x1: {  	s1 =	rddreg [dreg:$0x0]  }
0x2: {  	s6 =	rddreg [dreg:$0x1]  }
0x3: {  	s0 =	stileid.u32;
	s2 =	srdreg.scid  }
0x4: {  	s3 =	rddreg [dreg:$0x2];
	s4 =	simm.s32 $0x0;
	s13 =	simm.s32 $0x14000  }
0x5: {  	s14 =	simm.s32 $0x14080;
	s15 =	simm.s32 $0x80;
	s16 =	simm.s32 $0x14100  }
0x6: {  	s17 =	simm.s32 $0x1;
	s18 =	simm.s32 $0x0;
	s5 =	smul.u32 $0x9E0, s0  }
0x7: {  	s7 =	sand.u32 $0x1, s2;
	s2 =	rddreg [dreg:$0x3];
	s9 =	smul.u32 $0x14000, s0  }
0x8: {  	[smem:$0x7FF] =	sst s4;
	s11 =	smul.u32 $0x50000, s0;
	s31 =	sshll.u32 s0, $0x6  }
0x9: {  	s8 =	smul.u32 $0x140000, s7;
	_ =	strace $0x80000053;
	s28 =	ssub.s32 $0x2, s7  }
0xa: {  	s7 =	smul.u32 $0x4F0, s7;
	s10 =	sadd.s32 s5, s6;
	s5 =	sadd.s32 $0xCA00, s6  }
0xb: {  	s29 =	sshrl.u32 s28, $0x1;
	s30 =	sshrl.u32 s11, $0x2;
	s8 =	sadd.s32 s9, s8  }
0xc: {  	s9 =	ssub.s32 s28, s29;
	s12 =	sadd.s32 s30, s3;
	s8 =	sshrl.u32 s8, $0x3  }
0xd: {  	s10 =	sadd.s32 s7, s10;
	s11 =	sshrl.u32 s12, $0x3;
	s8 =	sadd.s32 s8, s6  }
0xe: {  	s12 =	simm.s32 $0x2;
	s6 =	sor.u32 $0x1C02, s31;
	s7 =	sadd.s32 $0x47800, s8  }
0xf: {  	s8 =	smax.u32 s9, $0x1;
	s9 =	sadd.s32 $0x3DA00, s10;
	s10 =	sadd.s32 $0x2600, s10  }
.LBB2_1:
0x10: {  	[spmem:s11], [sflag:s6] =	dma.local [hbm:s5], $0x2800  }
0x11: {  	_ =	swait.ge [sflag:s12], $0x2800  }
0x12: {  	[sflag:s12] =	ssyncset.done $0x0  }
0x13: {  	[sflag:s12] =	ssyncadd.s32 $0xFFFFD800  }
0x14: {  	s19 =	sadd.s32 $0x0, s10;
	[bflag:$0x0] =	sbarrier.arrive $0xFFFF  }
0x15: {  	[tilespmem:s13], [sflag:$0x2] =	stream.linear.gather [hbm4b:s19+s4], $0x80, $0x38;
	[tilespmem:$0x18100] =	vst v63  }
0x16: {  	_ =	swait.ge [sflag:s12], $0x80  }
0x17: {  	[sflag:s12] =	ssyncset.done $0x0  }
0x18: {  	s31 =	sadd.s32 $0x0, s9;
	[sflag:s12] =	ssyncadd.s32 $0xFFFFFF80  }
0x19: {  	[tilespmem:s14], [sflag:$0x2] =	stream.linear.gather [hbm4b:s31+s4], $0x80, $0x38;
	[tilespmem:$0x18100] =	vst v63  }
0x1a: {  	_ =	swait.ge [sflag:s12], $0x80  }
0x1b: {  	[sflag:s12] =	ssyncset.done $0x0  }
0x1c: {  	[sflag:s12] =	ssyncadd.s32 $0xFFFFFF80  }
0x1d: {  	[tilespmem:s16], [sflag:$0x1] =	stream.indirect.gather [hbm4b:s1+s15], $0x80, s13, s15, $0xb8;
	[tilespmem:$0x18100] =	vst v63  }
0x1e: {  	_ =	swait.ge [sflag:s17], $0x4000  }
0x1f: {  	[sflag:s17] =	ssyncset.done $0x0  }
0x20: {  	[sflag:s17] =	ssyncadd.s32 $0xFFFFC000  }
0x21: {  	[spmem:s3] =	stream.indirect.scatter.add.f32 [tilespmem:s16], [sflag:$0x2], $0x80, s14, s15, $0xb8;
	[tilespmem:$0x18100] =	vst v63  }
0x22: {  	_ =	swait.ge [sflag:s12], $0x4000  }
0x23: {  	s20 =	simm.s32 $0x20;
	s19 =	simm.s32 $0x10;
	[sflag:s12] =	ssyncset.done $0x0  }
.LBB2_2:
0x24: {  	s21 =	sadd.s32 s19, s10  }
0x25: {  	[sflag:s12] =	ssyncadd.s32 $0xFFFFC000;
	s22 =	smov.u32 s20;
	s23 =	sadd.s32 $0x10, s20  }
0x26: {  	[tilespmem:s13], [sflag:$0x2] =	stream.linear.gather [hbm4b:s21+s4], $0x80, $0x38;
	[tilespmem:$0x18100] =	vst v63  }
0x27: {  	p0 =	sne.s32 s20, $0x4E0;
	_ =	swait.ge [sflag:s12], $0x80  }
0x28: {  	[sflag:s12] =	ssyncset.done $0x0  }
0x29: {  	s20 =	sadd.s32 s19, s9;
	s19 =	smov.u32 s22;
	[sflag:s12] =	ssyncadd.s32 $0xFFFFFF80  }
0x2a: {  	[tilespmem:s14], [sflag:$0x2] =	stream.linear.gather [hbm4b:s20+s4], $0x80, $0x38;
	[tilespmem:$0x18100] =	vst v63  }
0x2b: {  	_ =	swait.ge [sflag:s12], $0x80  }
0x2c: {  	[sflag:s12] =	ssyncset.done $0x0  }
0x2d: {  	[sflag:s12] =	ssyncadd.s32 $0xFFFFFF80  }
0x2e: {  	[tilespmem:s16], [sflag:$0x1] =	stream.indirect.gather [hbm4b:s1+s15], $0x80, s13, s15, $0xb8;
	[tilespmem:$0x18100] =	vst v63  }
0x2f: {  	_ =	swait.ge [sflag:s17], $0x4000  }
.Ltmp0:
0x30: {  	[sflag:s17] =	ssyncset.done $0x0;
	(pc) =	sbr.rel @p0 .LBB2_2-.Ltmp0, $4  }
0x31: {  	[sflag:s17] =	ssyncadd.s32 $0xFFFFC000  }
0x32: {  	[spmem:s3] =	stream.indirect.scatter.add.f32 [tilespmem:s16], [sflag:$0x2], $0x80, s14, s15, $0xb8;
	[tilespmem:$0x18100] =	vst v63  }
0x33: {  	_ =	swait.ge [sflag:s12], $0x4000  }
0x34: {  	s20 =	smov.u32 s23;
	[sflag:s12] =	ssyncset.done $0x0  }
0x35: {  	s20 =	sadd.s32 s19, s10;
	[sflag:s12] =	ssyncadd.s32 $0xFFFFC000  }
0x36: {  	[tilespmem:s13], [sflag:$0x2] =	stream.linear.gather [hbm4b:s20+s4], $0x80, $0x38;
	[tilespmem:$0x18100] =	vst v63  }
0x37: {  	_ =	swait.ge [sflag:s12], $0x80  }
0x38: {  	[sflag:s12] =	ssyncset.done $0x0  }
0x39: {  	s31 =	sadd.s32 s19, s9;
	[sflag:s12] =	ssyncadd.s32 $0xFFFFFF80  }
0x3a: {  	[tilespmem:s14], [sflag:$0x2] =	stream.linear.gather [hbm4b:s31+s4], $0x80, $0x38;
	[tilespmem:$0x18100] =	vst v63  }
0x3b: {  	_ =	swait.ge [sflag:s12], $0x80  }
0x3c: {  	[sflag:s12] =	ssyncset.done $0x0  }
0x3d: {  	[sflag:s12] =	ssyncadd.s32 $0xFFFFFF80  }
0x3e: {  	[tilespmem:s16], [sflag:$0x1] =	stream.indirect.gather [hbm4b:s1+s15], $0x80, s13, s15, $0xb8;
	[tilespmem:$0x18100] =	vst v63  }
0x3f: {  	_ =	swait.ge [sflag:s17], $0x4000  }
0x40: {  	[sflag:s17] =	ssyncset.done $0x0  }
0x41: {  	[sflag:s17] =	ssyncadd.s32 $0xFFFFC000  }
0x42: {  	[spmem:s3] =	stream.indirect.scatter.add.f32 [tilespmem:s16], [sflag:$0x2], $0x80, s14, s15, $0xb8;
	[tilespmem:$0x18100] =	vst v63  }
0x43: {  	_ =	swait.ge [sflag:s12], $0x4000  }
0x44: {  	s18 =	sadd.s32 $0x1, s18;
	[sflag:s12] =	ssyncset.done $0x0  }
0x45: {  	p0 =	sne.s32 s18, s8;
	[sflag:s12] =	ssyncadd.s32 $0xFFFFC000  }
.Ltmp1:
0x46: {  	[bflag:$0x0] =	sbarrier.arrive $0xFFFF;
	(pc) =	sbr.rel @p0 .LBB2_1-.Ltmp1, $4  }
0x47: {  	[hbm:s7], [sflag:s6] =	dma.local [spmem:s11], $0x2800  }
0x48: {  	_ =	swait.ge [sflag:s12], $0x2800  }
0x49: {  	[sflag:s12] =	ssyncset.done $0x0  }
0x4a: {  	[sflag:s12] =	ssyncadd.s32 $0xFFFFD800  }
0x4b: {  	_ =	sfence.sel $0x180000  }
0x4c: {  	[bflag:$0x0] =	sbarrier.arrive $0xFFFF  }
0x4d: {  	p0 =	sne.s32 s0, $0x0;
	_ =	strace $0x90000053  }
0x4e: {  	s0 =	sadd.s32 @!p0 $0x100000, s2;
	[bflag:$0x2] =	sbarrier.arrive $0xFFFF  }
0x4f: {  	[sflag:s0] =	ssyncadd.tile.s32 @!p0 $0x1;
	_ =	shalt  }
.Lfunc_end2:
_tile_overlayer_lowered:
.L_overlay_start_2:
0x50: {  	(tag) =	ssettag $0x2  }
0x51: {  	s0 =	rddreg [dreg:$0x0];
	s2 =	stileid.u32  }
0x52: {  	s1 =	rddreg [dreg:$0x1];
	p0 =	sne.s32 s2, $0x0  }
0x53: {  	s3 =	rddreg [dreg:$0x2];
	[bflag:$0x3] =	sbarrier.arrive $0xFFFF;
	s2 =	simm.s32 @!p0 $0x1C02  }
0x54: {  	[timem:s3], [sflag:s2] =	dma.local @!p0 [hbm:s0], s1  }
0x55: {  	s0 =	simm.s32 @!p0 $0x2  }
0x56: {  	_ =	swait.ge @!p0 [sflag:s0], s1  }
0x57: {  	s1 =	ssub.s32 @!p0 $0x0, s1;
	[sflag:s0] =	ssyncset.done @!p0 $0x0  }
0x58: {  	[sflag:s0] =	ssyncadd.s32 @!p0 s1  }
0x59: {  	[bflag:$0x3] =	sbarrier.arrive $0xFFFF  }
0x5a: {  	_ =	shalt  }

</sc_bundles>
